<compile_context>
chip_gen: v7x
topology: tpu7x:2x2x1
jax: 0.10.2.dev20260603
libtpu: 0.0.44.dev20260713+nightly
codegen_flags: <defaults>
</compile_context>

<pallas_src>
import functools

import jax
import jax.numpy as jnp
from jax import lax
from jax.experimental import pallas as pl
from jax.experimental.pallas import tpu as pltpu
from jax.experimental.pallas import tpu_sc as plsc

B = 2048
PROX = 1024
H = 256
DIST = 256
DEN = 16
K = 32

BB = 1024
H_CHUNK = 64
CH = H_CHUNK * DIST
NEG = -3.4e38
POS = 3.4e38

NW = 32
LANE = 16


def _tc_body(x_ref, d_ref, w_ref, b_ref, a_ref, o_ref):
    prox = lax.dot_general(
        x_ref[...], w_ref[...], (((1,), (1,)), ((), ())),
        preferred_element_type=jnp.float32)
    prox = prox + b_ref[...]

    d = d_ref[...]

    def step(i, carry):
        mpos, mneg = carry
        a_chunk = a_ref[:, pl.ds(i * CH, CH)]
        v = lax.dot_general(
            d, a_chunk, (((1,), (0,)), ((), ())),
            preferred_element_type=jnp.float32)
        hi = v[:, 0:DIST]
        lo = v[:, 0:DIST]
        for j in range(1, H_CHUNK):
            s = v[:, j * DIST:(j + 1) * DIST]
            hi = jnp.maximum(hi, s)
            lo = jnp.minimum(lo, s)
        return jnp.maximum(mpos, hi), jnp.minimum(mneg, lo)

    mpos, mneg = lax.fori_loop(
        0, H // H_CHUNK, step,
        (jnp.full((BB, DIST), NEG, jnp.float32),
         jnp.full((BB, DIST), POS, jnp.float32)))

    v = jnp.where(mpos >= -mneg, mpos, mneg)
    mod = 1.0 / (1.0 + jnp.exp(-v))
    o_ref[...] = prox * mod


def _sc_topk_body(res_hbm, out_hbm, buf, obuf):
    wid = lax.axis_index("s") * 2 + lax.axis_index("c")
    rows_w = res_hbm.shape[0] // NW
    base = wid * rows_w
    pltpu.sync_copy(res_hbm.at[pl.ds(base, rows_w)], buf)

    def sortd(x):
        return plsc.sort_key_val(x, x, descending=True)[0]

    def merge16(p, q):
        qr = lax.rev(q, (0,))
        return sortd(jnp.maximum(p, qr)), sortd(jnp.minimum(p, qr))

    def merge32_keep_top(a, bq):
        ahi, alo = a
        bhi, blo = bq
        c0 = jnp.maximum(ahi, lax.rev(blo, (0,)))
        c1 = jnp.maximum(alo, lax.rev(bhi, (0,)))
        return sortd(jnp.maximum(c0, c1)), sortd(jnp.minimum(c0, c1))

    def row(r, carry):
        xs = [buf[r, pl.ds(LANE * i, LANE)] for i in range(H // LANE)]
        runs = [merge16(sortd(xs[2 * i]), sortd(xs[2 * i + 1]))
                for i in range(8)]
        while len(runs) > 1:
            runs = [merge32_keep_top(runs[2 * i], runs[2 * i + 1])
                    for i in range(len(runs) // 2)]
        _, lo = runs[0]
        thr = jnp.min(lo)
        for i in range(H // LANE):
            obuf[r, pl.ds(LANE * i, LANE)] = jnp.where(
                xs[i] >= thr, xs[i], 0.0)
        return carry

    lax.fori_loop(0, rows_w, row, 0)
    pltpu.sync_copy(obuf, out_hbm.at[pl.ds(base, rows_w)])


def _make_sc_topk(rows):
    return functools.partial(
        pl.kernel,
        mesh=plsc.VectorSubcoreMesh(core_axis_name="c", subcore_axis_name="s"),
        out_type=jax.ShapeDtypeStruct((rows, H), jnp.float32),
        compiler_params=pltpu.CompilerParams(needs_layout_passes=False),
        scratch_types=[
            pltpu.VMEM((rows // NW, H), jnp.float32),
            pltpu.VMEM((rows // NW, H), jnp.float32),
        ],
    )(_sc_topk_body)


@jax.jit
def _run(x_bf, d_bf, W_bf, b2d, A2_bf):
    res = pl.pallas_call(
        _tc_body,
        grid=(B // BB,),
        in_specs=[
            pl.BlockSpec((BB, PROX), lambda i: (i, 0)),
            pl.BlockSpec((BB, DEN), lambda i: (i, 0)),
            pl.BlockSpec((H, PROX), lambda i: (0, 0)),
            pl.BlockSpec((1, H), lambda i: (0, 0)),
            pl.BlockSpec((DEN, H * DIST), lambda i: (0, 0)),
        ],
        out_specs=pl.BlockSpec((BB, H), lambda i: (i, 0)),
        out_shape=jax.ShapeDtypeStruct((B, H), jnp.float32),
    )(x_bf, d_bf, W_bf, b2d, A2_bf)
    return _make_sc_topk(B)(res)


def kernel(proximal_input, distal_input, W, b, distal):
    A2 = jnp.transpose(distal, (1, 0, 2)).reshape(DEN, H * DIST)
    return _run(proximal_input.astype(jnp.bfloat16),
                distal_input.astype(jnp.bfloat16),
                W.astype(jnp.bfloat16),
                b.reshape(1, H),
                A2.astype(jnp.bfloat16))

# --- scband reference (transcript-rebuilt; emitter-appended) ---
"""Pipeline reference for scband-pyramidal-20461224198253 (READ-ONLY COPY).

The authoritative reference and input builder live on the scoring server;
editing this copy changes nothing except your own understanding.
"""

import jax, jax.numpy as jnp
import numpy as np

B = 2048
PROXIMAL_DIM = 1024
HIDDEN_DIM = 256
DISTAL_DIM = 256
DENDRITE_DIM = 16
K = 32


def setup_inputs(seed: int = 0) -> dict:
    key = jax.random.key(seed)
    k1, k2, k3, k4, k5 = jax.random.split(key, 5)
    proximal_input = jax.random.normal(k1, (B, PROXIMAL_DIM), dtype=jnp.float32)
    distal_input = jax.random.normal(k2, (B, DENDRITE_DIM), dtype=jnp.float32)
    lim = 1.0 / np.sqrt(PROXIMAL_DIM)
    W = jax.random.uniform(k3, (HIDDEN_DIM, PROXIMAL_DIM), minval=-lim, maxval=lim, dtype=jnp.float32)
    b = jax.random.uniform(k4, (HIDDEN_DIM,), minval=-lim, maxval=lim, dtype=jnp.float32)
    distal = jax.random.normal(k5, (HIDDEN_DIM, DENDRITE_DIM, DISTAL_DIM), dtype=jnp.float32)
    return {"proximal_input": proximal_input, "distal_input": distal_input, "W": W, "b": b, "distal": distal}


def reference(proximal_input, distal_input, W, b, distal):
    # proximal branch: nn.Linear
    proximal_output = proximal_input @ W.T + b  # [B, H]
    # torch .T on a 3D tensor reverses all dims: [H, Den, Dist] -> [Dist, Den, H]
    distal_T = jnp.transpose(distal, (2, 1, 0))
    # [B, Den] @ [Dist, Den, H] broadcasts to [Dist, B, H]
    distal_output = jnp.matmul(distal_input, distal_T)
    abs_max_idx = jnp.argmax(jnp.abs(distal_output), axis=-1, keepdims=True)  # [Dist, B, 1]
    distal_max = jnp.squeeze(jnp.take_along_axis(distal_output, abs_max_idx, axis=-1), -1).T  # [B, Dist]
    distal_modulate = jax.nn.sigmoid(distal_max)
    result = proximal_output * distal_modulate  # requires Dist == H
    top_vals, top_idxs = jax.lax.top_k(result, K)
    rows = jnp.arange(result.shape[0])[:, None]
    mask = jnp.zeros_like(result).at[rows, top_idxs].set(1.0)
    return result * mask

if __name__ == "__main__":
    import jax
    _d = setup_inputs()
    print(jax.jit(kernel)(*tuple(_d.values())))

</pallas_src>

<mosaic_0001>
#map = affine_map<(d0, d1) -> (0, 0)>
module attributes {stable_mosaic.version = 14 : i64} {
  func.func @_sc_topk_body(%arg0: i32, %arg1: i32, %arg2: memref<2048x256xf32, #tpu.memory_space<hbm>>, %arg3: memref<2048x256xf32, #tpu.memory_space<hbm>>, %arg4: memref<64x256xf32, #tpu.memory_space<vmem>>, %arg5: memref<64x256xf32, #tpu.memory_space<vmem>>) attributes {dimension_semantics = [#tpu.dimension_semantics<core_parallel>, #tpu.dimension_semantics<subcore_parallel>], iteration_bounds = array<i64: 2, 16>, scalar_prefetch = 0 : i64, scratch_operands = 2 : i64, tpu.core_type = #tpu.core_type<sc_vector_subcore>, window_params = [{transform_indices = #map}, {transform_indices = #map}]} {
    %mul3A = arith.constant 2 : i32
    %mul3A_0 = arith.muli %arg1, %mul3A : i32
    %add3A = arith.addi %mul3A_0, %arg0 : i32
    %mul3A_1 = arith.constant 64 : i32
    %mul3A_2 = arith.muli %add3A, %mul3A_1 : i32
    "tpu.region"() ({
      %run_scoped3A = tpu.sem_alloc : memref<!tpu.dma_semaphore, #tpu.memory_space<semaphore_mem>>
      %dma_start3A = arith.constant 0 : i32
      %dma_start3A_8 = tpu.memref_slice %arg2[%mul3A_2, %dma_start3A] : memref<2048x256xf32, #tpu.memory_space<hbm>> -> memref<64x256xf32, #tpu.memory_space<hbm>>
      %dma_start3A_9 = arith.constant 0 : i32
      %dma_start3A_10 = tpu.memref_slice %arg2[%mul3A_2, %dma_start3A_9] : memref<2048x256xf32, #tpu.memory_space<hbm>> -> memref<64x256xf32, #tpu.memory_space<hbm>>
      tpu.enqueue_dma source(%dma_start3A_10 : memref<64x256xf32, #tpu.memory_space<hbm>>) target(%arg4 : memref<64x256xf32, #tpu.memory_space<vmem>>) target_semaphore(%run_scoped3A : memref<!tpu.dma_semaphore, #tpu.memory_space<semaphore_mem>>)
      %dma_wait3A = arith.constant 0 : i32
      %dma_wait3A_11 = tpu.memref_slice %arg2[%mul3A_2, %dma_wait3A] : memref<2048x256xf32, #tpu.memory_space<hbm>> -> memref<64x256xf32, #tpu.memory_space<hbm>>
      %dma_wait3A_12 = arith.constant 0 : i32
      %dma_wait3A_13 = tpu.memref_slice %arg2[%mul3A_2, %dma_wait3A_12] : memref<2048x256xf32, #tpu.memory_space<hbm>> -> memref<64x256xf32, #tpu.memory_space<hbm>>
      tpu.wait_dma2 semaphore(%run_scoped3A : memref<!tpu.dma_semaphore, #tpu.memory_space<semaphore_mem>>) src(%dma_wait3A_13 : memref<64x256xf32, #tpu.memory_space<hbm>>) dst(%arg4 : memref<64x256xf32, #tpu.memory_space<vmem>>)
      tpu.yield
    }) : () -> ()
    %scan3A = arith.constant 0 : i32
    %scan3A_3 = arith.constant 0 : i32
    %scan3A_4 = arith.constant 64 : i32
    %scan3A_5 = arith.addi %scan3A_3, %scan3A_4 : i32
    %scan3A_6 = arith.constant 1 : i32
    scf.for %scan3A_8 = %scan3A_3 to %scan3A_5 step %scan3A_6  : i32 {
      %get3A = arith.index_cast %scan3A_8 : i32 to index
      %get3A_9 = arith.constant 0 : index
      %get3A_10 = tpu.vector_load %arg4[%get3A, %get3A_9] {strides = array<i32>} : memref<64x256xf32, #tpu.memory_space<vmem>>, vector<16xf32>,
      %get3A_11 = arith.index_cast %scan3A_8 : i32 to index
      %get3A_12 = arith.constant 16 : index
      %get3A_13 = tpu.vector_load %arg4[%get3A_11, %get3A_12] {strides = array<i32>} : memref<64x256xf32, #tpu.memory_space<vmem>>, vector<16xf32>,
      %get3A_14 = arith.index_cast %scan3A_8 : i32 to index
      %get3A_15 = arith.constant 32 : index
      %get3A_16 = tpu.vector_load %arg4[%get3A_14, %get3A_15] {strides = array<i32>} : memref<64x256xf32, #tpu.memory_space<vmem>>, vector<16xf32>,
      %get3A_17 = arith.index_cast %scan3A_8 : i32 to index
      %get3A_18 = arith.constant 48 : index
      %get3A_19 = tpu.vector_load %arg4[%get3A_17, %get3A_18] {strides = array<i32>} : memref<64x256xf32, #tpu.memory_space<vmem>>, vector<16xf32>,
      %get3A_20 = arith.index_cast %scan3A_8 : i32 to index
      %get3A_21 = arith.constant 64 : index
      %get3A_22 = tpu.vector_load %arg4[%get3A_20, %get3A_21] {strides = array<i32>} : memref<64x256xf32, #tpu.memory_space<vmem>>, vector<16xf32>,
      %get3A_23 = arith.index_cast %scan3A_8 : i32 to index
      %get3A_24 = arith.constant 80 : index
      %get3A_25 = tpu.vector_load %arg4[%get3A_23, %get3A_24] {strides = array<i32>} : memref<64x256xf32, #tpu.memory_space<vmem>>, vector<16xf32>,
      %get3A_26 = arith.index_cast %scan3A_8 : i32 to index
      %get3A_27 = arith.constant 96 : index
      %get3A_28 = tpu.vector_load %arg4[%get3A_26, %get3A_27] {strides = array<i32>} : memref<64x256xf32, #tpu.memory_space<vmem>>, vector<16xf32>,
      %get3A_29 = arith.index_cast %scan3A_8 : i32 to index
      %get3A_30 = arith.constant 112 : index
      %get3A_31 = tpu.vector_load %arg4[%get3A_29, %get3A_30] {strides = array<i32>} : memref<64x256xf32, #tpu.memory_space<vmem>>, vector<16xf32>,
      %get3A_32 = arith.index_cast %scan3A_8 : i32 to index
      %get3A_33 = arith.constant 128 : index
      %get3A_34 = tpu.vector_load %arg4[%get3A_32, %get3A_33] {strides = array<i32>} : memref<64x256xf32, #tpu.memory_space<vmem>>, vector<16xf32>,
      %get3A_35 = arith.index_cast %scan3A_8 : i32 to index
      %get3A_36 = arith.constant 144 : index
      %get3A_37 = tpu.vector_load %arg4[%get3A_35, %get3A_36] {strides = array<i32>} : memref<64x256xf32, #tpu.memory_space<vmem>>, vector<16xf32>,
      %get3A_38 = arith.index_cast %scan3A_8 : i32 to index
      %get3A_39 = arith.constant 160 : index
      %get3A_40 = tpu.vector_load %arg4[%get3A_38, %get3A_39] {strides = array<i32>} : memref<64x256xf32, #tpu.memory_space<vmem>>, vector<16xf32>,
      %get3A_41 = arith.index_cast %scan3A_8 : i32 to index
      %get3A_42 = arith.constant 176 : index
      %get3A_43 = tpu.vector_load %arg4[%get3A_41, %get3A_42] {strides = array<i32>} : memref<64x256xf32, #tpu.memory_space<vmem>>, vector<16xf32>,
      %get3A_44 = arith.index_cast %scan3A_8 : i32 to index
      %get3A_45 = arith.constant 192 : index
      %get3A_46 = tpu.vector_load %arg4[%get3A_44, %get3A_45] {strides = array<i32>} : memref<64x256xf32, #tpu.memory_space<vmem>>, vector<16xf32>,
      %get3A_47 = arith.index_cast %scan3A_8 : i32 to index
      %get3A_48 = arith.constant 208 : index
      %get3A_49 = tpu.vector_load %arg4[%get3A_47, %get3A_48] {strides = array<i32>} : memref<64x256xf32, #tpu.memory_space<vmem>>, vector<16xf32>,
      %get3A_50 = arith.index_cast %scan3A_8 : i32 to index
      %get3A_51 = arith.constant 224 : index
      %get3A_52 = tpu.vector_load %arg4[%get3A_50, %get3A_51] {strides = array<i32>} : memref<64x256xf32, #tpu.memory_space<vmem>>, vector<16xf32>,
      %get3A_53 = arith.index_cast %scan3A_8 : i32 to index
      %get3A_54 = arith.constant 240 : index
      %get3A_55 = tpu.vector_load %arg4[%get3A_53, %get3A_54] {strides = array<i32>} : memref<64x256xf32, #tpu.memory_space<vmem>>, vector<16xf32>,
      %masked_sort3A = arith.constant dense<true> : vector<16xi1>
      %masked_sort3A_56, %masked_sort3A_57, %masked_sort3A_58 = tpu.sort %get3A_10, %get3A_10 masked %masked_sort3A {descending = true} : (vector<16xf32>, vector<16xf32>, vector<16xi1>) -> (vector<16xi1>, vector<16xf32>, vector<16xf32>)
      %masked_sort3A_59 = arith.constant dense<true> : vector<16xi1>
      %masked_sort3A_60, %masked_sort3A_61, %masked_sort3A_62 = tpu.sort %get3A_13, %get3A_13 masked %masked_sort3A_59 {descending = true} : (vector<16xf32>, vector<16xf32>, vector<16xi1>) -> (vector<16xi1>, vector<16xf32>, vector<16xf32>)
      %rev3A = arith.constant 15 : i32
      %rev3A_63 = vector.broadcast %rev3A : i32 to vector<16xi32>
      %rev3A_64 = tpu.iota {dimensions = array<i32: 0>} : vector<16xi32>
      %rev3A_65 = arith.subi %rev3A_63, %rev3A_64 : vector<16xi32>
      %rev3A_66 = tpu.dynamic_gather %masked_sort3A_61[%rev3A_65] in [0] : vector<16xf32>, vector<16xi32> -> vector<16xf32>
      %max3A = arith.maximumf %masked_sort3A_57, %rev3A_66 : vector<16xf32>
      %masked_sort3A_67 = arith.constant dense<true> : vector<16xi1>
      %masked_sort3A_68, %masked_sort3A_69, %masked_sort3A_70 = tpu.sort %max3A, %max3A masked %masked_sort3A_67 {descending = true} : (vector<16xf32>, vector<16xf32>, vector<16xi1>) -> (vector<16xi1>, vector<16xf32>, vector<16xf32>)
      %min3A = arith.minimumf %masked_sort3A_57, %rev3A_66 : vector<16xf32>
      %masked_sort3A_71 = arith.constant dense<true> : vector<16xi1>
      %masked_sort3A_72, %masked_sort3A_73, %masked_sort3A_74 = tpu.sort %min3A, %min3A masked %masked_sort3A_71 {descending = true} : (vector<16xf32>, vector<16xf32>, vector<16xi1>) -> (vector<16xi1>, vector<16xf32>, vector<16xf32>)
      %masked_sort3A_75 = arith.constant dense<true> : vector<16xi1>
      %masked_sort3A_76, %masked_sort3A_77, %masked_sort3A_78 = tpu.sort %get3A_16, %get3A_16 masked %masked_sort3A_75 {descending = true} : (vector<16xf32>, vector<16xf32>, vector<16xi1>) -> (vector<16xi1>, vector<16xf32>, vector<16xf32>)
      %masked_sort3A_79 = arith.constant dense<true> : vector<16xi1>
      %masked_sort3A_80, %masked_sort3A_81, %masked_sort3A_82 = tpu.sort %get3A_19, %get3A_19 masked %masked_sort3A_79 {descending = true} : (vector<16xf32>, vector<16xf32>, vector<16xi1>) -> (vector<16xi1>, vector<16xf32>, vector<16xf32>)
      %rev3A_83 = arith.constant 15 : i32
      %rev3A_84 = vector.broadcast %rev3A_83 : i32 to vector<16xi32>
      %rev3A_85 = tpu.iota {dimensions = array<i32: 0>} : vector<16xi32>
      %rev3A_86 = arith.subi %rev3A_84, %rev3A_85 : vector<16xi32>
      %rev3A_87 = tpu.dynamic_gather %masked_sort3A_81[%rev3A_86] in [0] : vector<16xf32>, vector<16xi32> -> vector<16xf32>
      %max3A_88 = arith.maximumf %masked_sort3A_77, %rev3A_87 : vector<16xf32>
      %masked_sort3A_89 = arith.constant dense<true> : vector<16xi1>
      %masked_sort3A_90, %masked_sort3A_91, %masked_sort3A_92 = tpu.sort %max3A_88, %max3A_88 masked %masked_sort3A_89 {descending = true} : (vector<16xf32>, vector<16xf32>, vector<16xi1>) -> (vector<16xi1>, vector<16xf32>, vector<16xf32>)
      %min3A_93 = arith.minimumf %masked_sort3A_77, %rev3A_87 : vector<16xf32>
      %masked_sort3A_94 = arith.constant dense<true> : vector<16xi1>
      %masked_sort3A_95, %masked_sort3A_96, %masked_sort3A_97 = tpu.sort %min3A_93, %min3A_93 masked %masked_sort3A_94 {descending = true} : (vector<16xf32>, vector<16xf32>, vector<16xi1>) -> (vector<16xi1>, vector<16xf32>, vector<16xf32>)
      %masked_sort3A_98 = arith.constant dense<true> : vector<16xi1>
      %masked_sort3A_99, %masked_sort3A_100, %masked_sort3A_101 = tpu.sort %get3A_22, %get3A_22 masked %masked_sort3A_98 {descending = true} : (vector<16xf32>, vector<16xf32>, vector<16xi1>) -> (vector<16xi1>, vector<16xf32>, vector<16xf32>)
      %masked_sort3A_102 = arith.constant dense<true> : vector<16xi1>
      %masked_sort3A_103, %masked_sort3A_104, %masked_sort3A_105 = tpu.sort %get3A_25, %get3A_25 masked %masked_sort3A_102 {descending = true} : (vector<16xf32>, vector<16xf32>, vector<16xi1>) -> (vector<16xi1>, vector<16xf32>, vector<16xf32>)
      %rev3A_106 = arith.constant 15 : i32
      %rev3A_107 = vector.broadcast %rev3A_106 : i32 to vector<16xi32>
      %rev3A_108 = tpu.iota {dimensions = array<i32: 0>} : vector<16xi32>
      %rev3A_109 = arith.subi %rev3A_107, %rev3A_108 : vector<16xi32>
      %rev3A_110 = tpu.dynamic_gather %masked_sort3A_104[%rev3A_109] in [0] : vector<16xf32>, vector<16xi32> -> vector<16xf32>
      %max3A_111 = arith.maximumf %masked_sort3A_100, %rev3A_110 : vector<16xf32>
      %masked_sort3A_112 = arith.constant dense<true> : vector<16xi1>
      %masked_sort3A_113, %masked_sort3A_114, %masked_sort3A_115 = tpu.sort %max3A_111, %max3A_111 masked %masked_sort3A_112 {descending = true} : (vector<16xf32>, vector<16xf32>, vector<16xi1>) -> (vector<16xi1>, vector<16xf32>, vector<16xf32>)
      %min3A_116 = arith.minimumf %masked_sort3A_100, %rev3A_110 : vector<16xf32>
      %masked_sort3A_117 = arith.constant dense<true> : vector<16xi1>
      %masked_sort3A_118, %masked_sort3A_119, %masked_sort3A_120 = tpu.sort %min3A_116, %min3A_116 masked %masked_sort3A_117 {descending = true} : (vector<16xf32>, vector<16xf32>, vector<16xi1>) -> (vector<16xi1>, vector<16xf32>, vector<16xf32>)
      %masked_sort3A_121 = arith.constant dense<true> : vector<16xi1>
      %masked_sort3A_122, %masked_sort3A_123, %masked_sort3A_124 = tpu.sort %get3A_28, %get3A_28 masked %masked_sort3A_121 {descending = true} : (vector<16xf32>, vector<16xf32>, vector<16xi1>) -> (vector<16xi1>, vector<16xf32>, vector<16xf32>)
      %masked_sort3A_125 = arith.constant dense<true> : vector<16xi1>
      %masked_sort3A_126, %masked_sort3A_127, %masked_sort3A_128 = tpu.sort %get3A_31, %get3A_31 masked %masked_sort3A_125 {descending = true} : (vector<16xf32>, vector<16xf32>, vector<16xi1>) -> (vector<16xi1>, vector<16xf32>, vector<16xf32>)
      %rev3A_129 = arith.constant 15 : i32
      %rev3A_130 = vector.broadcast %rev3A_129 : i32 to vector<16xi32>
      %rev3A_131 = tpu.iota {dimensions = array<i32: 0>} : vector<16xi32>
      %rev3A_132 = arith.subi %rev3A_130, %rev3A_131 : vector<16xi32>
      %rev3A_133 = tpu.dynamic_gather %masked_sort3A_127[%rev3A_132] in [0] : vector<16xf32>, vector<16xi32> -> vector<16xf32>
      %max3A_134 = arith.maximumf %masked_sort3A_123, %rev3A_133 : vector<16xf32>
      %masked_sort3A_135 = arith.constant dense<true> : vector<16xi1>
      %masked_sort3A_136, %masked_sort3A_137, %masked_sort3A_138 = tpu.sort %max3A_134, %max3A_134 masked %masked_sort3A_135 {descending = true} : (vector<16xf32>, vector<16xf32>, vector<16xi1>) -> (vector<16xi1>, vector<16xf32>, vector<16xf32>)
      %min3A_139 = arith.minimumf %masked_sort3A_123, %rev3A_133 : vector<16xf32>
      %masked_sort3A_140 = arith.constant dense<true> : vector<16xi1>
      %masked_sort3A_141, %masked_sort3A_142, %masked_sort3A_143 = tpu.sort %min3A_139, %min3A_139 masked %masked_sort3A_140 {descending = true} : (vector<16xf32>, vector<16xf32>, vector<16xi1>) -> (vector<16xi1>, vector<16xf32>, vector<16xf32>)
      %masked_sort3A_144 = arith.constant dense<true> : vector<16xi1>
      %masked_sort3A_145, %masked_sort3A_146, %masked_sort3A_147 = tpu.sort %get3A_34, %get3A_34 masked %masked_sort3A_144 {descending = true} : (vector<16xf32>, vector<16xf32>, vector<16xi1>) -> (vector<16xi1>, vector<16xf32>, vector<16xf32>)
      %masked_sort3A_148 = arith.constant dense<true> : vector<16xi1>
      %masked_sort3A_149, %masked_sort3A_150, %masked_sort3A_151 = tpu.sort %get3A_37, %get3A_37 masked %masked_sort3A_148 {descending = true} : (vector<16xf32>, vector<16xf32>, vector<16xi1>) -> (vector<16xi1>, vector<16xf32>, vector<16xf32>)
      %rev3A_152 = arith.constant 15 : i32
      %rev3A_153 = vector.broadcast %rev3A_152 : i32 to vector<16xi32>
      %rev3A_154 = tpu.iota {dimensions = array<i32: 0>} : vector<16xi32>
      %rev3A_155 = arith.subi %rev3A_153, %rev3A_154 : vector<16xi32>
      %rev3A_156 = tpu.dynamic_gather %masked_sort3A_150[%rev3A_155] in [0] : vector<16xf32>, vector<16xi32> -> vector<16xf32>
      %max3A_157 = arith.maximumf %masked_sort3A_146, %rev3A_156 : vector<16xf32>
      %masked_sort3A_158 = arith.constant dense<true> : vector<16xi1>
      %masked_sort3A_159, %masked_sort3A_160, %masked_sort3A_161 = tpu.sort %max3A_157, %max3A_157 masked %masked_sort3A_158 {descending = true} : (vector<16xf32>, vector<16xf32>, vector<16xi1>) -> (vector<16xi1>, vector<16xf32>, vector<16xf32>)
      %min3A_162 = arith.minimumf %masked_sort3A_146, %rev3A_156 : vector<16xf32>
      %masked_sort3A_163 = arith.constant dense<true> : vector<16xi1>
      %masked_sort3A_164, %masked_sort3A_165, %masked_sort3A_166 = tpu.sort %min3A_162, %min3A_162 masked %masked_sort3A_163 {descending = true} : (vector<16xf32>, vector<16xf32>, vector<16xi1>) -> (vector<16xi1>, vector<16xf32>, vector<16xf32>)
      %masked_sort3A_167 = arith.constant dense<true> : vector<16xi1>
      %masked_sort3A_168, %masked_sort3A_169, %masked_sort3A_170 = tpu.sort %get3A_40, %get3A_40 masked %masked_sort3A_167 {descending = true} : (vector<16xf32>, vector<16xf32>, vector<16xi1>) -> (vector<16xi1>, vector<16xf32>, vector<16xf32>)
      %masked_sort3A_171 = arith.constant dense<true> : vector<16xi1>
      %masked_sort3A_172, %masked_sort3A_173, %masked_sort3A_174 = tpu.sort %get3A_43, %get3A_43 masked %masked_sort3A_171 {descending = true} : (vector<16xf32>, vector<16xf32>, vector<16xi1>) -> (vector<16xi1>, vector<16xf32>, vector<16xf32>)
      %rev3A_175 = arith.constant 15 : i32
      %rev3A_176 = vector.broadcast %rev3A_175 : i32 to vector<16xi32>
      %rev3A_177 = tpu.iota {dimensions = array<i32: 0>} : vector<16xi32>
      %rev3A_178 = arith.subi %rev3A_176, %rev3A_177 : vector<16xi32>
      %rev3A_179 = tpu.dynamic_gather %masked_sort3A_173[%rev3A_178] in [0] : vector<16xf32>, vector<16xi32> -> vector<16xf32>
      %max3A_180 = arith.maximumf %masked_sort3A_169, %rev3A_179 : vector<16xf32>
      %masked_sort3A_181 = arith.constant dense<true> : vector<16xi1>
      %masked_sort3A_182, %masked_sort3A_183, %masked_sort3A_184 = tpu.sort %max3A_180, %max3A_180 masked %masked_sort3A_181 {descending = true} : (vector<16xf32>, vector<16xf32>, vector<16xi1>) -> (vector<16xi1>, vector<16xf32>, vector<16xf32>)
      %min3A_185 = arith.minimumf %masked_sort3A_169, %rev3A_179 : vector<16xf32>
      %masked_sort3A_186 = arith.constant dense<true> : vector<16xi1>
      %masked_sort3A_187, %masked_sort3A_188, %masked_sort3A_189 = tpu.sort %min3A_185, %min3A_185 masked %masked_sort3A_186 {descending = true} : (vector<16xf32>, vector<16xf32>, vector<16xi1>) -> (vector<16xi1>, vector<16xf32>, vector<16xf32>)
      %masked_sort3A_190 = arith.constant dense<true> : vector<16xi1>
      %masked_sort3A_191, %masked_sort3A_192, %masked_sort3A_193 = tpu.sort %get3A_46, %get3A_46 masked %masked_sort3A_190 {descending = true} : (vector<16xf32>, vector<16xf32>, vector<16xi1>) -> (vector<16xi1>, vector<16xf32>, vector<16xf32>)
      %masked_sort3A_194 = arith.constant dense<true> : vector<16xi1>
      %masked_sort3A_195, %masked_sort3A_196, %masked_sort3A_197 = tpu.sort %get3A_49, %get3A_49 masked %masked_sort3A_194 {descending = true} : (vector<16xf32>, vector<16xf32>, vector<16xi1>) -> (vector<16xi1>, vector<16xf32>, vector<16xf32>)
      %rev3A_198 = arith.constant 15 : i32
      %rev3A_199 = vector.broadcast %rev3A_198 : i32 to vector<16xi32>
      %rev3A_200 = tpu.iota {dimensions = array<i32: 0>} : vector<16xi32>
      %rev3A_201 = arith.subi %rev3A_199, %rev3A_200 : vector<16xi32>
      %rev3A_202 = tpu.dynamic_gather %masked_sort3A_196[%rev3A_201] in [0] : vector<16xf32>, vector<16xi32> -> vector<16xf32>
      %max3A_203 = arith.maximumf %masked_sort3A_192, %rev3A_202 : vector<16xf32>
      %masked_sort3A_204 = arith.constant dense<true> : vector<16xi1>
      %masked_sort3A_205, %masked_sort3A_206, %masked_sort3A_207 = tpu.sort %max3A_203, %max3A_203 masked %masked_sort3A_204 {descending = true} : (vector<16xf32>, vector<16xf32>, vector<16xi1>) -> (vector<16xi1>, vector<16xf32>, vector<16xf32>)
      %min3A_208 = arith.minimumf %masked_sort3A_192, %rev3A_202 : vector<16xf32>
      %masked_sort3A_209 = arith.constant dense<true> : vector<16xi1>
      %masked_sort3A_210, %masked_sort3A_211, %masked_sort3A_212 = tpu.sort %min3A_208, %min3A_208 masked %masked_sort3A_209 {descending = true} : (vector<16xf32>, vector<16xf32>, vector<16xi1>) -> (vector<16xi1>, vector<16xf32>, vector<16xf32>)
      %masked_sort3A_213 = arith.constant dense<true> : vector<16xi1>
      %masked_sort3A_214, %masked_sort3A_215, %masked_sort3A_216 = tpu.sort %get3A_52, %get3A_52 masked %masked_sort3A_213 {descending = true} : (vector<16xf32>, vector<16xf32>, vector<16xi1>) -> (vector<16xi1>, vector<16xf32>, vector<16xf32>)
      %masked_sort3A_217 = arith.constant dense<true> : vector<16xi1>
      %masked_sort3A_218, %masked_sort3A_219, %masked_sort3A_220 = tpu.sort %get3A_55, %get3A_55 masked %masked_sort3A_217 {descending = true} : (vector<16xf32>, vector<16xf32>, vector<16xi1>) -> (vector<16xi1>, vector<16xf32>, vector<16xf32>)
      %rev3A_221 = arith.constant 15 : i32
      %rev3A_222 = vector.broadcast %rev3A_221 : i32 to vector<16xi32>
      %rev3A_223 = tpu.iota {dimensions = array<i32: 0>} : vector<16xi32>
      %rev3A_224 = arith.subi %rev3A_222, %rev3A_223 : vector<16xi32>
      %rev3A_225 = tpu.dynamic_gather %masked_sort3A_219[%rev3A_224] in [0] : vector<16xf32>, vector<16xi32> -> vector<16xf32>
      %max3A_226 = arith.maximumf %masked_sort3A_215, %rev3A_225 : vector<16xf32>
      %masked_sort3A_227 = arith.constant dense<true> : vector<16xi1>
      %masked_sort3A_228, %masked_sort3A_229, %masked_sort3A_230 = tpu.sort %max3A_226, %max3A_226 masked %masked_sort3A_227 {descending = true} : (vector<16xf32>, vector<16xf32>, vector<16xi1>) -> (vector<16xi1>, vector<16xf32>, vector<16xf32>)
      %min3A_231 = arith.minimumf %masked_sort3A_215, %rev3A_225 : vector<16xf32>
      %masked_sort3A_232 = arith.constant dense<true> : vector<16xi1>
      %masked_sort3A_233, %masked_sort3A_234, %masked_sort3A_235 = tpu.sort %min3A_231, %min3A_231 masked %masked_sort3A_232 {descending = true} : (vector<16xf32>, vector<16xf32>, vector<16xi1>) -> (vector<16xi1>, vector<16xf32>, vector<16xf32>)
      %rev3A_236 = arith.constant 15 : i32
      %rev3A_237 = vector.broadcast %rev3A_236 : i32 to vector<16xi32>
      %rev3A_238 = tpu.iota {dimensions = array<i32: 0>} : vector<16xi32>
      %rev3A_239 = arith.subi %rev3A_237, %rev3A_238 : vector<16xi32>
      %rev3A_240 = tpu.dynamic_gather %masked_sort3A_96[%rev3A_239] in [0] : vector<16xf32>, vector<16xi32> -> vector<16xf32>
      %max3A_241 = arith.maximumf %masked_sort3A_69, %rev3A_240 : vector<16xf32>
      %rev3A_242 = arith.constant 15 : i32
      %rev3A_243 = vector.broadcast %rev3A_242 : i32 to vector<16xi32>
      %rev3A_244 = tpu.iota {dimensions = array<i32: 0>} : vector<16xi32>
      %rev3A_245 = arith.subi %rev3A_243, %rev3A_244 : vector<16xi32>
      %rev3A_246 = tpu.dynamic_gather %masked_sort3A_91[%rev3A_245] in [0] : vector<16xf32>, vector<16xi32> -> vector<16xf32>
      %max3A_247 = arith.maximumf %masked_sort3A_73, %rev3A_246 : vector<16xf32>
      %max3A_248 = arith.maximumf %max3A_241, %max3A_247 : vector<16xf32>
      %masked_sort3A_249 = arith.constant dense<true> : vector<16xi1>
      %masked_sort3A_250, %masked_sort3A_251, %masked_sort3A_252 = tpu.sort %max3A_248, %max3A_248 masked %masked_sort3A_249 {descending = true} : (vector<16xf32>, vector<16xf32>, vector<16xi1>) -> (vector<16xi1>, vector<16xf32>, vector<16xf32>)
      %min3A_253 = arith.minimumf %max3A_241, %max3A_247 : vector<16xf32>
      %masked_sort3A_254 = arith.constant dense<true> : vector<16xi1>
      %masked_sort3A_255, %masked_sort3A_256, %masked_sort3A_257 = tpu.sort %min3A_253, %min3A_253 masked %masked_sort3A_254 {descending = true} : (vector<16xf32>, vector<16xf32>, vector<16xi1>) -> (vector<16xi1>, vector<16xf32>, vector<16xf32>)
      %rev3A_258 = arith.constant 15 : i32
      %rev3A_259 = vector.broadcast %rev3A_258 : i32 to vector<16xi32>
      %rev3A_260 = tpu.iota {dimensions = array<i32: 0>} : vector<16xi32>
      %rev3A_261 = arith.subi %rev3A_259, %rev3A_260 : vector<16xi32>
      %rev3A_262 = tpu.dynamic_gather %masked_sort3A_142[%rev3A_261] in [0] : vector<16xf32>, vector<16xi32> -> vector<16xf32>
      %max3A_263 = arith.maximumf %masked_sort3A_114, %rev3A_262 : vector<16xf32>
      %rev3A_264 = arith.constant 15 : i32
      %rev3A_265 = vector.broadcast %rev3A_264 : i32 to vector<16xi32>
      %rev3A_266 = tpu.iota {dimensions = array<i32: 0>} : vector<16xi32>
      %rev3A_267 = arith.subi %rev3A_265, %rev3A_266 : vector<16xi32>
      %rev3A_268 = tpu.dynamic_gather %masked_sort3A_137[%rev3A_267] in [0] : vector<16xf32>, vector<16xi32> -> vector<16xf32>
      %max3A_269 = arith.maximumf %masked_sort3A_119, %rev3A_268 : vector<16xf32>
      %max3A_270 = arith.maximumf %max3A_263, %max3A_269 : vector<16xf32>
      %masked_sort3A_271 = arith.constant dense<true> : vector<16xi1>
      %masked_sort3A_272, %masked_sort3A_273, %masked_sort3A_274 = tpu.sort %max3A_270, %max3A_270 masked %masked_sort3A_271 {descending = true} : (vector<16xf32>, vector<16xf32>, vector<16xi1>) -> (vector<16xi1>, vector<16xf32>, vector<16xf32>)
      %min3A_275 = arith.minimumf %max3A_263, %max3A_269 : vector<16xf32>
      %masked_sort3A_276 = arith.constant dense<true> : vector<16xi1>
      %masked_sort3A_277, %masked_sort3A_278, %masked_sort3A_279 = tpu.sort %min3A_275, %min3A_275 masked %masked_sort3A_276 {descending = true} : (vector<16xf32>, vector<16xf32>, vector<16xi1>) -> (vector<16xi1>, vector<16xf32>, vector<16xf32>)
      %rev3A_280 = arith.constant 15 : i32
      %rev3A_281 = vector.broadcast %rev3A_280 : i32 to vector<16xi32>
      %rev3A_282 = tpu.iota {dimensions = array<i32: 0>} : vector<16xi32>
      %rev3A_283 = arith.subi %rev3A_281, %rev3A_282 : vector<16xi32>
      %rev3A_284 = tpu.dynamic_gather %masked_sort3A_188[%rev3A_283] in [0] : vector<16xf32>, vector<16xi32> -> vector<16xf32>
      %max3A_285 = arith.maximumf %masked_sort3A_160, %rev3A_284 : vector<16xf32>
      %rev3A_286 = arith.constant 15 : i32
      %rev3A_287 = vector.broadcast %rev3A_286 : i32 to vector<16xi32>
      %rev3A_288 = tpu.iota {dimensions = array<i32: 0>} : vector<16xi32>
      %rev3A_289 = arith.subi %rev3A_287, %rev3A_288 : vector<16xi32>
      %rev3A_290 = tpu.dynamic_gather %masked_sort3A_183[%rev3A_289] in [0] : vector<16xf32>, vector<16xi32> -> vector<16xf32>
      %max3A_291 = arith.maximumf %masked_sort3A_165, %rev3A_290 : vector<16xf32>
      %max3A_292 = arith.maximumf %max3A_285, %max3A_291 : vector<16xf32>
      %masked_sort3A_293 = arith.constant dense<true> : vector<16xi1>
      %masked_sort3A_294, %masked_sort3A_295, %masked_sort3A_296 = tpu.sort %max3A_292, %max3A_292 masked %masked_sort3A_293 {descending = true} : (vector<16xf32>, vector<16xf32>, vector<16xi1>) -> (vector<16xi1>, vector<16xf32>, vector<16xf32>)
      %min3A_297 = arith.minimumf %max3A_285, %max3A_291 : vector<16xf32>
      %masked_sort3A_298 = arith.constant dense<true> : vector<16xi1>
      %masked_sort3A_299, %masked_sort3A_300, %masked_sort3A_301 = tpu.sort %min3A_297, %min3A_297 masked %masked_sort3A_298 {descending = true} : (vector<16xf32>, vector<16xf32>, vector<16xi1>) -> (vector<16xi1>, vector<16xf32>, vector<16xf32>)
      %rev3A_302 = arith.constant 15 : i32
      %rev3A_303 = vector.broadcast %rev3A_302 : i32 to vector<16xi32>
      %rev3A_304 = tpu.iota {dimensions = array<i32: 0>} : vector<16xi32>
      %rev3A_305 = arith.subi %rev3A_303, %rev3A_304 : vector<16xi32>
      %rev3A_306 = tpu.dynamic_gather %masked_sort3A_234[%rev3A_305] in [0] : vector<16xf32>, vector<16xi32> -> vector<16xf32>
      %max3A_307 = arith.maximumf %masked_sort3A_206, %rev3A_306 : vector<16xf32>
      %rev3A_308 = arith.constant 15 : i32
      %rev3A_309 = vector.broadcast %rev3A_308 : i32 to vector<16xi32>
      %rev3A_310 = tpu.iota {dimensions = array<i32: 0>} : vector<16xi32>
      %rev3A_311 = arith.subi %rev3A_309, %rev3A_310 : vector<16xi32>
      %rev3A_312 = tpu.dynamic_gather %masked_sort3A_229[%rev3A_311] in [0] : vector<16xf32>, vector<16xi32> -> vector<16xf32>
      %max3A_313 = arith.maximumf %masked_sort3A_211, %rev3A_312 : vector<16xf32>
      %max3A_314 = arith.maximumf %max3A_307, %max3A_313 : vector<16xf32>
      %masked_sort3A_315 = arith.constant dense<true> : vector<16xi1>
      %masked_sort3A_316, %masked_sort3A_317, %masked_sort3A_318 = tpu.sort %max3A_314, %max3A_314 masked %masked_sort3A_315 {descending = true} : (vector<16xf32>, vector<16xf32>, vector<16xi1>) -> (vector<16xi1>, vector<16xf32>, vector<16xf32>)
      %min3A_319 = arith.minimumf %max3A_307, %max3A_313 : vector<16xf32>
      %masked_sort3A_320 = arith.constant dense<true> : vector<16xi1>
      %masked_sort3A_321, %masked_sort3A_322, %masked_sort3A_323 = tpu.sort %min3A_319, %min3A_319 masked %masked_sort3A_320 {descending = true} : (vector<16xf32>, vector<16xf32>, vector<16xi1>) -> (vector<16xi1>, vector<16xf32>, vector<16xf32>)
      %rev3A_324 = arith.constant 15 : i32
      %rev3A_325 = vector.broadcast %rev3A_324 : i32 to vector<16xi32>
      %rev3A_326 = tpu.iota {dimensions = array<i32: 0>} : vector<16xi32>
      %rev3A_327 = arith.subi %rev3A_325, %rev3A_326 : vector<16xi32>
      %rev3A_328 = tpu.dynamic_gather %masked_sort3A_278[%rev3A_327] in [0] : vector<16xf32>, vector<16xi32> -> vector<16xf32>
      %max3A_329 = arith.maximumf %masked_sort3A_251, %rev3A_328 : vector<16xf32>
      %rev3A_330 = arith.constant 15 : i32
      %rev3A_331 = vector.broadcast %rev3A_330 : i32 to vector<16xi32>
      %rev3A_332 = tpu.iota {dimensions = array<i32: 0>} : vector<16xi32>
      %rev3A_333 = arith.subi %rev3A_331, %rev3A_332 : vector<16xi32>
      %rev3A_334 = tpu.dynamic_gather %masked_sort3A_273[%rev3A_333] in [0] : vector<16xf32>, vector<16xi32> -> vector<16xf32>
      %max3A_335 = arith.maximumf %masked_sort3A_256, %rev3A_334 : vector<16xf32>
      %max3A_336 = arith.maximumf %max3A_329, %max3A_335 : vector<16xf32>
      %masked_sort3A_337 = arith.constant dense<true> : vector<16xi1>
      %masked_sort3A_338, %masked_sort3A_339, %masked_sort3A_340 = tpu.sort %max3A_336, %max3A_336 masked %masked_sort3A_337 {descending = true} : (vector<16xf32>, vector<16xf32>, vector<16xi1>) -> (vector<16xi1>, vector<16xf32>, vector<16xf32>)
      %min3A_341 = arith.minimumf %max3A_329, %max3A_335 : vector<16xf32>
      %masked_sort3A_342 = arith.constant dense<true> : vector<16xi1>
      %masked_sort3A_343, %masked_sort3A_344, %masked_sort3A_345 = tpu.sort %min3A_341, %min3A_341 masked %masked_sort3A_342 {descending = true} : (vector<16xf32>, vector<16xf32>, vector<16xi1>) -> (vector<16xi1>, vector<16xf32>, vector<16xf32>)
      %rev3A_346 = arith.constant 15 : i32
      %rev3A_347 = vector.broadcast %rev3A_346 : i32 to vector<16xi32>
      %rev3A_348 = tpu.iota {dimensions = array<i32: 0>} : vector<16xi32>
      %rev3A_349 = arith.subi %rev3A_347, %rev3A_348 : vector<16xi32>
      %rev3A_350 = tpu.dynamic_gather %masked_sort3A_322[%rev3A_349] in [0] : vector<16xf32>, vector<16xi32> -> vector<16xf32>
      %max3A_351 = arith.maximumf %masked_sort3A_295, %rev3A_350 : vector<16xf32>
      %rev3A_352 = arith.constant 15 : i32
      %rev3A_353 = vector.broadcast %rev3A_352 : i32 to vector<16xi32>
      %rev3A_354 = tpu.iota {dimensions = array<i32: 0>} : vector<16xi32>
      %rev3A_355 = arith.subi %rev3A_353, %rev3A_354 : vector<16xi32>
      %rev3A_356 = tpu.dynamic_gather %masked_sort3A_317[%rev3A_355] in [0] : vector<16xf32>, vector<16xi32> -> vector<16xf32>
      %max3A_357 = arith.maximumf %masked_sort3A_300, %rev3A_356 : vector<16xf32>
      %max3A_358 = arith.maximumf %max3A_351, %max3A_357 : vector<16xf32>
      %masked_sort3A_359 = arith.constant dense<true> : vector<16xi1>
      %masked_sort3A_360, %masked_sort3A_361, %masked_sort3A_362 = tpu.sort %max3A_358, %max3A_358 masked %masked_sort3A_359 {descending = true} : (vector<16xf32>, vector<16xf32>, vector<16xi1>) -> (vector<16xi1>, vector<16xf32>, vector<16xf32>)
      %min3A_363 = arith.minimumf %max3A_351, %max3A_357 : vector<16xf32>
      %masked_sort3A_364 = arith.constant dense<true> : vector<16xi1>
      %masked_sort3A_365, %masked_sort3A_366, %masked_sort3A_367 = tpu.sort %min3A_363, %min3A_363 masked %masked_sort3A_364 {descending = true} : (vector<16xf32>, vector<16xf32>, vector<16xi1>) -> (vector<16xi1>, vector<16xf32>, vector<16xf32>)
      %rev3A_368 = arith.constant 15 : i32
      %rev3A_369 = vector.broadcast %rev3A_368 : i32 to vector<16xi32>
      %rev3A_370 = tpu.iota {dimensions = array<i32: 0>} : vector<16xi32>
      %rev3A_371 = arith.subi %rev3A_369, %rev3A_370 : vector<16xi32>
      %rev3A_372 = tpu.dynamic_gather %masked_sort3A_366[%rev3A_371] in [0] : vector<16xf32>, vector<16xi32> -> vector<16xf32>
      %max3A_373 = arith.maximumf %masked_sort3A_339, %rev3A_372 : vector<16xf32>
      %rev3A_374 = arith.constant 15 : i32
      %rev3A_375 = vector.broadcast %rev3A_374 : i32 to vector<16xi32>
      %rev3A_376 = tpu.iota {dimensions = array<i32: 0>} : vector<16xi32>
      %rev3A_377 = arith.subi %rev3A_375, %rev3A_376 : vector<16xi32>
      %rev3A_378 = tpu.dynamic_gather %masked_sort3A_361[%rev3A_377] in [0] : vector<16xf32>, vector<16xi32> -> vector<16xf32>
      %max3A_379 = arith.maximumf %masked_sort3A_344, %rev3A_378 : vector<16xf32>
      %max3A_380 = arith.maximumf %max3A_373, %max3A_379 : vector<16xf32>
      %masked_sort3A_381 = arith.constant dense<true> : vector<16xi1>
      %masked_sort3A_382, %masked_sort3A_383, %masked_sort3A_384 = tpu.sort %max3A_380, %max3A_380 masked %masked_sort3A_381 {descending = true} : (vector<16xf32>, vector<16xf32>, vector<16xi1>) -> (vector<16xi1>, vector<16xf32>, vector<16xf32>)
      %min3A_385 = arith.minimumf %max3A_373, %max3A_379 : vector<16xf32>
      %masked_sort3A_386 = arith.constant dense<true> : vector<16xi1>
      %masked_sort3A_387, %masked_sort3A_388, %masked_sort3A_389 = tpu.sort %min3A_385, %min3A_385 masked %masked_sort3A_386 {descending = true} : (vector<16xf32>, vector<16xf32>, vector<16xi1>) -> (vector<16xi1>, vector<16xf32>, vector<16xf32>)
      %reduce_min3A = arith.constant true
      %reduce_min3A_390 = vector.broadcast %reduce_min3A : i1 to vector<16xi1>
      %reduce_min3A_391 = tpu.scan <min>, %masked_sort3A_388 masked %reduce_min3A_390 : vector<16xf32>, vector<16xi1> -> vector<16xf32>
      %reduce_min3A_392 = vector.extract %reduce_min3A_391[15] : f32 from vector<16xf32>
      %ge3A = vector.broadcast %reduce_min3A_392 : f32 to vector<16xf32>
      %ge3A_393 = arith.cmpf oge, %get3A_10, %ge3A : vector<16xf32>
      %jit3A = arith.constant 0.000000e+00 : f32
      %broadcast_in_dim3A = vector.broadcast %jit3A : f32 to vector<16xf32>
      %select_n3A = arith.select %ge3A_393, %get3A_10, %broadcast_in_dim3A : vector<16xi1>, vector<16xf32>
      %swap3A = arith.index_cast %scan3A_8 : i32 to index
      %swap3A_394 = arith.constant 0 : index
      %swap3A_395 = tpu.vector_load %arg5[%swap3A, %swap3A_394] {strides = array<i32>} : memref<64x256xf32, #tpu.memory_space<vmem>>, vector<16xf32>,
      tpu.vector_store %arg5[%swap3A, %swap3A_394], %select_n3A {strides = array<i32>} : memref<64x256xf32, #tpu.memory_space<vmem>>, vector<16xf32>,
      %ge3A_396 = vector.broadcast %reduce_min3A_392 : f32 to vector<16xf32>
      %ge3A_397 = arith.cmpf oge, %get3A_13, %ge3A_396 : vector<16xf32>
      %jit3A_398 = arith.constant 0.000000e+00 : f32
      %broadcast_in_dim3A_399 = vector.broadcast %jit3A_398 : f32 to vector<16xf32>
      %select_n3A_400 = arith.select %ge3A_397, %get3A_13, %broadcast_in_dim3A_399 : vector<16xi1>, vector<16xf32>
      %swap3A_401 = arith.index_cast %scan3A_8 : i32 to index
      %swap3A_402 = arith.constant 16 : index
      %swap3A_403 = tpu.vector_load %arg5[%swap3A_401, %swap3A_402] {strides = array<i32>} : memref<64x256xf32, #tpu.memory_space<vmem>>, vector<16xf32>,
      tpu.vector_store %arg5[%swap3A_401, %swap3A_402], %select_n3A_400 {strides = array<i32>} : memref<64x256xf32, #tpu.memory_space<vmem>>, vector<16xf32>,
      %ge3A_404 = vector.broadcast %reduce_min3A_392 : f32 to vector<16xf32>
      %ge3A_405 = arith.cmpf oge, %get3A_16, %ge3A_404 : vector<16xf32>
      %jit3A_406 = arith.constant 0.000000e+00 : f32
      %broadcast_in_dim3A_407 = vector.broadcast %jit3A_406 : f32 to vector<16xf32>
      %select_n3A_408 = arith.select %ge3A_405, %get3A_16, %broadcast_in_dim3A_407 : vector<16xi1>, vector<16xf32>
      %swap3A_409 = arith.index_cast %scan3A_8 : i32 to index
      %swap3A_410 = arith.constant 32 : index
      %swap3A_411 = tpu.vector_load %arg5[%swap3A_409, %swap3A_410] {strides = array<i32>} : memref<64x256xf32, #tpu.memory_space<vmem>>, vector<16xf32>,
      tpu.vector_store %arg5[%swap3A_409, %swap3A_410], %select_n3A_408 {strides = array<i32>} : memref<64x256xf32, #tpu.memory_space<vmem>>, vector<16xf32>,
      %ge3A_412 = vector.broadcast %reduce_min3A_392 : f32 to vector<16xf32>
      %ge3A_413 = arith.cmpf oge, %get3A_19, %ge3A_412 : vector<16xf32>
      %jit3A_414 = arith.constant 0.000000e+00 : f32
      %broadcast_in_dim3A_415 = vector.broadcast %jit3A_414 : f32 to vector<16xf32>
      %select_n3A_416 = arith.select %ge3A_413, %get3A_19, %broadcast_in_dim3A_415 : vector<16xi1>, vector<16xf32>
      %swap3A_417 = arith.index_cast %scan3A_8 : i32 to index
      %swap3A_418 = arith.constant 48 : index
      %swap3A_419 = tpu.vector_load %arg5[%swap3A_417, %swap3A_418] {strides = array<i32>} : memref<64x256xf32, #tpu.memory_space<vmem>>, vector<16xf32>,
      tpu.vector_store %arg5[%swap3A_417, %swap3A_418], %select_n3A_416 {strides = array<i32>} : memref<64x256xf32, #tpu.memory_space<vmem>>, vector<16xf32>,
      %ge3A_420 = vector.broadcast %reduce_min3A_392 : f32 to vector<16xf32>
      %ge3A_421 = arith.cmpf oge, %get3A_22, %ge3A_420 : vector<16xf32>
      %jit3A_422 = arith.constant 0.000000e+00 : f32
      %broadcast_in_dim3A_423 = vector.broadcast %jit3A_422 : f32 to vector<16xf32>
      %select_n3A_424 = arith.select %ge3A_421, %get3A_22, %broadcast_in_dim3A_423 : vector<16xi1>, vector<16xf32>
      %swap3A_425 = arith.index_cast %scan3A_8 : i32 to index
      %swap3A_426 = arith.constant 64 : index
      %swap3A_427 = tpu.vector_load %arg5[%swap3A_425, %swap3A_426] {strides = array<i32>} : memref<64x256xf32, #tpu.memory_space<vmem>>, vector<16xf32>,
      tpu.vector_store %arg5[%swap3A_425, %swap3A_426], %select_n3A_424 {strides = array<i32>} : memref<64x256xf32, #tpu.memory_space<vmem>>, vector<16xf32>,
      %ge3A_428 = vector.broadcast %reduce_min3A_392 : f32 to vector<16xf32>
      %ge3A_429 = arith.cmpf oge, %get3A_25, %ge3A_428 : vector<16xf32>
      %jit3A_430 = arith.constant 0.000000e+00 : f32
      %broadcast_in_dim3A_431 = vector.broadcast %jit3A_430 : f32 to vector<16xf32>
      %select_n3A_432 = arith.select %ge3A_429, %get3A_25, %broadcast_in_dim3A_431 : vector<16xi1>, vector<16xf32>
      %swap3A_433 = arith.index_cast %scan3A_8 : i32 to index
      %swap3A_434 = arith.constant 80 : index
      %swap3A_435 = tpu.vector_load %arg5[%swap3A_433, %swap3A_434] {strides = array<i32>} : memref<64x256xf32, #tpu.memory_space<vmem>>, vector<16xf32>,
      tpu.vector_store %arg5[%swap3A_433, %swap3A_434], %select_n3A_432 {strides = array<i32>} : memref<64x256xf32, #tpu.memory_space<vmem>>, vector<16xf32>,
      %ge3A_436 = vector.broadcast %reduce_min3A_392 : f32 to vector<16xf32>
      %ge3A_437 = arith.cmpf oge, %get3A_28, %ge3A_436 : vector<16xf32>
      %jit3A_438 = arith.constant 0.000000e+00 : f32
      %broadcast_in_dim3A_439 = vector.broadcast %jit3A_438 : f32 to vector<16xf32>
      %select_n3A_440 = arith.select %ge3A_437, %get3A_28, %broadcast_in_dim3A_439 : vector<16xi1>, vector<16xf32>
      %swap3A_441 = arith.index_cast %scan3A_8 : i32 to index
      %swap3A_442 = arith.constant 96 : index
      %swap3A_443 = tpu.vector_load %arg5[%swap3A_441, %swap3A_442] {strides = array<i32>} : memref<64x256xf32, #tpu.memory_space<vmem>>, vector<16xf32>,
      tpu.vector_store %arg5[%swap3A_441, %swap3A_442], %select_n3A_440 {strides = array<i32>} : memref<64x256xf32, #tpu.memory_space<vmem>>, vector<16xf32>,
      %ge3A_444 = vector.broadcast %reduce_min3A_392 : f32 to vector<16xf32>
      %ge3A_445 = arith.cmpf oge, %get3A_31, %ge3A_444 : vector<16xf32>
      %jit3A_446 = arith.constant 0.000000e+00 : f32
      %broadcast_in_dim3A_447 = vector.broadcast %jit3A_446 : f32 to vector<16xf32>
      %select_n3A_448 = arith.select %ge3A_445, %get3A_31, %broadcast_in_dim3A_447 : vector<16xi1>, vector<16xf32>
      %swap3A_449 = arith.index_cast %scan3A_8 : i32 to index
      %swap3A_450 = arith.constant 112 : index
      %swap3A_451 = tpu.vector_load %arg5[%swap3A_449, %swap3A_450] {strides = array<i32>} : memref<64x256xf32, #tpu.memory_space<vmem>>, vector<16xf32>,
      tpu.vector_store %arg5[%swap3A_449, %swap3A_450], %select_n3A_448 {strides = array<i32>} : memref<64x256xf32, #tpu.memory_space<vmem>>, vector<16xf32>,
      %ge3A_452 = vector.broadcast %reduce_min3A_392 : f32 to vector<16xf32>
      %ge3A_453 = arith.cmpf oge, %get3A_34, %ge3A_452 : vector<16xf32>
      %jit3A_454 = arith.constant 0.000000e+00 : f32
      %broadcast_in_dim3A_455 = vector.broadcast %jit3A_454 : f32 to vector<16xf32>
      %select_n3A_456 = arith.select %ge3A_453, %get3A_34, %broadcast_in_dim3A_455 : vector<16xi1>, vector<16xf32>
      %swap3A_457 = arith.index_cast %scan3A_8 : i32 to index
      %swap3A_458 = arith.constant 128 : index
      %swap3A_459 = tpu.vector_load %arg5[%swap3A_457, %swap3A_458] {strides = array<i32>} : memref<64x256xf32, #tpu.memory_space<vmem>>, vector<16xf32>,
      tpu.vector_store %arg5[%swap3A_457, %swap3A_458], %select_n3A_456 {strides = array<i32>} : memref<64x256xf32, #tpu.memory_space<vmem>>, vector<16xf32>,
      %ge3A_460 = vector.broadcast %reduce_min3A_392 : f32 to vector<16xf32>
      %ge3A_461 = arith.cmpf oge, %get3A_37, %ge3A_460 : vector<16xf32>
      %jit3A_462 = arith.constant 0.000000e+00 : f32
      %broadcast_in_dim3A_463 = vector.broadcast %jit3A_462 : f32 to vector<16xf32>
      %select_n3A_464 = arith.select %ge3A_461, %get3A_37, %broadcast_in_dim3A_463 : vector<16xi1>, vector<16xf32>
      %swap3A_465 = arith.index_cast %scan3A_8 : i32 to index
      %swap3A_466 = arith.constant 144 : index
      %swap3A_467 = tpu.vector_load %arg5[%swap3A_465, %swap3A_466] {strides = array<i32>} : memref<64x256xf32, #tpu.memory_space<vmem>>, vector<16xf32>,
      tpu.vector_store %arg5[%swap3A_465, %swap3A_466], %select_n3A_464 {strides = array<i32>} : memref<64x256xf32, #tpu.memory_space<vmem>>, vector<16xf32>,
      %ge3A_468 = vector.broadcast %reduce_min3A_392 : f32 to vector<16xf32>
      %ge3A_469 = arith.cmpf oge, %get3A_40, %ge3A_468 : vector<16xf32>
      %jit3A_470 = arith.constant 0.000000e+00 : f32
      %broadcast_in_dim3A_471 = vector.broadcast %jit3A_470 : f32 to vector<16xf32>
      %select_n3A_472 = arith.select %ge3A_469, %get3A_40, %broadcast_in_dim3A_471 : vector<16xi1>, vector<16xf32>
      %swap3A_473 = arith.index_cast %scan3A_8 : i32 to index
      %swap3A_474 = arith.constant 160 : index
      %swap3A_475 = tpu.vector_load %arg5[%swap3A_473, %swap3A_474] {strides = array<i32>} : memref<64x256xf32, #tpu.memory_space<vmem>>, vector<16xf32>,
      tpu.vector_store %arg5[%swap3A_473, %swap3A_474], %select_n3A_472 {strides = array<i32>} : memref<64x256xf32, #tpu.memory_space<vmem>>, vector<16xf32>,
      %ge3A_476 = vector.broadcast %reduce_min3A_392 : f32 to vector<16xf32>
      %ge3A_477 = arith.cmpf oge, %get3A_43, %ge3A_476 : vector<16xf32>
      %jit3A_478 = arith.constant 0.000000e+00 : f32
      %broadcast_in_dim3A_479 = vector.broadcast %jit3A_478 : f32 to vector<16xf32>
      %select_n3A_480 = arith.select %ge3A_477, %get3A_43, %broadcast_in_dim3A_479 : vector<16xi1>, vector<16xf32>
      %swap3A_481 = arith.index_cast %scan3A_8 : i32 to index
      %swap3A_482 = arith.constant 176 : index
      %swap3A_483 = tpu.vector_load %arg5[%swap3A_481, %swap3A_482] {strides = array<i32>} : memref<64x256xf32, #tpu.memory_space<vmem>>, vector<16xf32>,
      tpu.vector_store %arg5[%swap3A_481, %swap3A_482], %select_n3A_480 {strides = array<i32>} : memref<64x256xf32, #tpu.memory_space<vmem>>, vector<16xf32>,
      %ge3A_484 = vector.broadcast %reduce_min3A_392 : f32 to vector<16xf32>
      %ge3A_485 = arith.cmpf oge, %get3A_46, %ge3A_484 : vector<16xf32>
      %jit3A_486 = arith.constant 0.000000e+00 : f32
      %broadcast_in_dim3A_487 = vector.broadcast %jit3A_486 : f32 to vector<16xf32>
      %select_n3A_488 = arith.select %ge3A_485, %get3A_46, %broadcast_in_dim3A_487 : vector<16xi1>, vector<16xf32>
      %swap3A_489 = arith.index_cast %scan3A_8 : i32 to index
      %swap3A_490 = arith.constant 192 : index
      %swap3A_491 = tpu.vector_load %arg5[%swap3A_489, %swap3A_490] {strides = array<i32>} : memref<64x256xf32, #tpu.memory_space<vmem>>, vector<16xf32>,
      tpu.vector_store %arg5[%swap3A_489, %swap3A_490], %select_n3A_488 {strides = array<i32>} : memref<64x256xf32, #tpu.memory_space<vmem>>, vector<16xf32>,
      %ge3A_492 = vector.broadcast %reduce_min3A_392 : f32 to vector<16xf32>
      %ge3A_493 = arith.cmpf oge, %get3A_49, %ge3A_492 : vector<16xf32>
      %jit3A_494 = arith.constant 0.000000e+00 : f32
      %broadcast_in_dim3A_495 = vector.broadcast %jit3A_494 : f32 to vector<16xf32>
      %select_n3A_496 = arith.select %ge3A_493, %get3A_49, %broadcast_in_dim3A_495 : vector<16xi1>, vector<16xf32>
      %swap3A_497 = arith.index_cast %scan3A_8 : i32 to index
      %swap3A_498 = arith.constant 208 : index
      %swap3A_499 = tpu.vector_load %arg5[%swap3A_497, %swap3A_498] {strides = array<i32>} : memref<64x256xf32, #tpu.memory_space<vmem>>, vector<16xf32>,
      tpu.vector_store %arg5[%swap3A_497, %swap3A_498], %select_n3A_496 {strides = array<i32>} : memref<64x256xf32, #tpu.memory_space<vmem>>, vector<16xf32>,
      %ge3A_500 = vector.broadcast %reduce_min3A_392 : f32 to vector<16xf32>
      %ge3A_501 = arith.cmpf oge, %get3A_52, %ge3A_500 : vector<16xf32>
      %jit3A_502 = arith.constant 0.000000e+00 : f32
      %broadcast_in_dim3A_503 = vector.broadcast %jit3A_502 : f32 to vector<16xf32>
      %select_n3A_504 = arith.select %ge3A_501, %get3A_52, %broadcast_in_dim3A_503 : vector<16xi1>, vector<16xf32>
      %swap3A_505 = arith.index_cast %scan3A_8 : i32 to index
      %swap3A_506 = arith.constant 224 : index
      %swap3A_507 = tpu.vector_load %arg5[%swap3A_505, %swap3A_506] {strides = array<i32>} : memref<64x256xf32, #tpu.memory_space<vmem>>, vector<16xf32>,
      tpu.vector_store %arg5[%swap3A_505, %swap3A_506], %select_n3A_504 {strides = array<i32>} : memref<64x256xf32, #tpu.memory_space<vmem>>, vector<16xf32>,
      %ge3A_508 = vector.broadcast %reduce_min3A_392 : f32 to vector<16xf32>
      %ge3A_509 = arith.cmpf oge, %get3A_55, %ge3A_508 : vector<16xf32>
      %jit3A_510 = arith.constant 0.000000e+00 : f32
      %broadcast_in_dim3A_511 = vector.broadcast %jit3A_510 : f32 to vector<16xf32>
      %select_n3A_512 = arith.select %ge3A_509, %get3A_55, %broadcast_in_dim3A_511 : vector<16xi1>, vector<16xf32>
      %swap3A_513 = arith.index_cast %scan3A_8 : i32 to index
      %swap3A_514 = arith.constant 240 : index
      %swap3A_515 = tpu.vector_load %arg5[%swap3A_513, %swap3A_514] {strides = array<i32>} : memref<64x256xf32, #tpu.memory_space<vmem>>, vector<16xf32>,
      tpu.vector_store %arg5[%swap3A_513, %swap3A_514], %select_n3A_512 {strides = array<i32>} : memref<64x256xf32, #tpu.memory_space<vmem>>, vector<16xf32>,
    }
    %scan3A_7 = arith.constant 64 : i32
    "tpu.region"() ({
      %run_scoped3A = tpu.sem_alloc : memref<!tpu.dma_semaphore, #tpu.memory_space<semaphore_mem>>
      %dma_start3A = arith.constant 0 : i32
      %dma_start3A_8 = tpu.memref_slice %arg3[%mul3A_2, %dma_start3A] : memref<2048x256xf32, #tpu.memory_space<hbm>> -> memref<64x256xf32, #tpu.memory_space<hbm>>
      %dma_start3A_9 = arith.constant 0 : i32
      %dma_start3A_10 = tpu.memref_slice %arg3[%mul3A_2, %dma_start3A_9] : memref<2048x256xf32, #tpu.memory_space<hbm>> -> memref<64x256xf32, #tpu.memory_space<hbm>>
      tpu.enqueue_dma source(%arg5 : memref<64x256xf32, #tpu.memory_space<vmem>>) target(%dma_start3A_10 : memref<64x256xf32, #tpu.memory_space<hbm>>) target_semaphore(%run_scoped3A : memref<!tpu.dma_semaphore, #tpu.memory_space<semaphore_mem>>)
      %dma_wait3A = arith.constant 0 : i32
      %dma_wait3A_11 = tpu.memref_slice %arg3[%mul3A_2, %dma_wait3A] : memref<2048x256xf32, #tpu.memory_space<hbm>> -> memref<64x256xf32, #tpu.memory_space<hbm>>
      %dma_wait3A_12 = arith.constant 0 : i32
      %dma_wait3A_13 = tpu.memref_slice %arg3[%mul3A_2, %dma_wait3A_12] : memref<2048x256xf32, #tpu.memory_space<hbm>> -> memref<64x256xf32, #tpu.memory_space<hbm>>
      tpu.wait_dma2 semaphore(%run_scoped3A : memref<!tpu.dma_semaphore, #tpu.memory_space<semaphore_mem>>) src(%arg5 : memref<64x256xf32, #tpu.memory_space<vmem>>) dst(%dma_wait3A_13 : memref<64x256xf32, #tpu.memory_space<hbm>>)
      tpu.yield
    }) : () -> ()
    return
  }
}

module attributes {stable_mosaic.version = 14 : i64} {
  func.func @_tc_body(%arg0: i32, %arg1: memref<1024x1024xbf16, #tpu.memory_space<vmem>>, %arg2: memref<1024x16xbf16, #tpu.memory_space<vmem>>, %arg3: memref<256x1024xbf16, #tpu.memory_space<vmem>>, %arg4: memref<1x256xf32, #tpu.memory_space<vmem>>, %arg5: memref<16x65536xbf16, #tpu.memory_space<vmem>>, %arg6: memref<1024x256xf32, #tpu.memory_space<vmem>>) attributes {dimension_semantics = [#tpu.dimension_semantics<arbitrary>], iteration_bounds = array<i64: 2>, scalar_prefetch = 0 : i64, scratch_operands = 0 : i64, tpu.core_type = #tpu.core_type<tc>, window_params = [{transform_indices = @transform_0, window_bounds = array<i64: 1024, 1024>}, {transform_indices = @transform_1, window_bounds = array<i64: 1024, 16>}, {pipeline_mode = #tpu.pipeline_mode<synchronous>, transform_indices = @transform_2, window_bounds = array<i64: 256, 1024>}, {pipeline_mode = #tpu.pipeline_mode<synchronous>, transform_indices = @transform_3, window_bounds = array<i64: 1, 256>}, {pipeline_mode = #tpu.pipeline_mode<synchronous>, transform_indices = @transform_4, window_bounds = array<i64: 16, 65536>}, {transform_indices = @transform_5, window_bounds = array<i64: 1024, 256>}]} {
    %get3A = arith.constant 0 : index
    %get3A_0 = arith.constant 0 : index
    %get3A_1 = vector.load %arg1[%get3A, %get3A_0] : memref<1024x1024xbf16, #tpu.memory_space<vmem>>, vector<1024x1024xbf16>
    %get3A_2 = arith.constant 0 : index
    %get3A_3 = arith.constant 0 : index
    %get3A_4 = vector.load %arg3[%get3A_2, %get3A_3] : memref<256x1024xbf16, #tpu.memory_space<vmem>>, vector<256x1024xbf16>
    %dot_general3A = arith.constant dense<0.000000e+00> : vector<1024x256xf32>
    %dot_general3A_5 = tpu.matmul %get3A_1, %get3A_4, %dot_general3A {dimension_numbers = #tpu.dot_dimension_numbers<[1], [1], [0], [0], [0, 0, 1, 0], [], []>, transpose_lhs_hint = false} : vector<1024x1024xbf16>, vector<256x1024xbf16>, vector<1024x256xf32> -> vector<1024x256xf32>
    %get3A_6 = arith.constant 0 : index
    %get3A_7 = arith.constant 0 : index
    %get3A_8 = vector.load %arg4[%get3A_6, %get3A_7] : memref<1x256xf32, #tpu.memory_space<vmem>>, vector<1x256xf32>
    %add3A = vector.broadcast %get3A_8 : vector<1x256xf32> to vector<1024x256xf32>
    %add3A_9 = arith.addf %dot_general3A_5, %add3A : vector<1024x256xf32>
    %get3A_10 = arith.constant 0 : index
    %get3A_11 = arith.constant 0 : index
    %get3A_12 = vector.load %arg2[%get3A_10, %get3A_11] : memref<1024x16xbf16, #tpu.memory_space<vmem>>, vector<1024x16xbf16>
    %broadcast_in_dim3A = arith.constant -3.400000e+38 : f32
    %broadcast_in_dim3A_13 = vector.broadcast %broadcast_in_dim3A : f32 to vector<1024x256xf32>
    %broadcast_in_dim3A_14 = arith.constant 3.400000e+38 : f32
    %broadcast_in_dim3A_15 = vector.broadcast %broadcast_in_dim3A_14 : f32 to vector<1024x256xf32>
    %scan3A = arith.constant 0 : i32
    %scan3A_16 = arith.constant 4 : i32
    %scan3A_17 = arith.addi %scan3A, %scan3A_16 : i32
    %scan3A_18 = arith.constant 1 : i32
    %scan3A_19:2 = scf.for %scan3A_33 = %scan3A to %scan3A_17 step %scan3A_18 iter_args(%scan3A_34 = %broadcast_in_dim3A_13, %scan3A_35 = %broadcast_in_dim3A_15) -> (vector<1024x256xf32>, vector<1024x256xf32>)  : i32 {
      %mul3A_36 = arith.constant 16384 : i32
      %mul3A_37 = arith.muli %scan3A_33, %mul3A_36 : i32
      %get3A_38 = arith.constant 0 : index
      %get3A_39 = arith.index_cast %mul3A_37 : i32 to index
      %get3A_40 = vector.load %arg5[%get3A_38, %get3A_39] : memref<16x65536xbf16, #tpu.memory_space<vmem>>, vector<16x16384xbf16>
      %dot_general3A_41 = arith.constant dense<0.000000e+00> : vector<1024x16384xf32>
      %dot_general3A_42 = tpu.matmul %get3A_12, %get3A_40, %dot_general3A_41 {dimension_numbers = #tpu.dot_dimension_numbers<[1], [0], [0], [1], [0, 0, 1, 1], [], []>, transpose_lhs_hint = false} : vector<1024x16xbf16>, vector<16x16384xbf16>, vector<1024x16384xf32> -> vector<1024x16384xf32>
      %slice3A = vector.extract_strided_slice %dot_general3A_42 {offsets = [0, 0], sizes = [1024, 256], strides = [1, 1]} : vector<1024x16384xf32> to vector<1024x256xf32>
      %slice3A_43 = vector.extract_strided_slice %dot_general3A_42 {offsets = [0, 0], sizes = [1024, 256], strides = [1, 1]} : vector<1024x16384xf32> to vector<1024x256xf32>
      %slice3A_44 = vector.extract_strided_slice %dot_general3A_42 {offsets = [0, 256], sizes = [1024, 256], strides = [1, 1]} : vector<1024x16384xf32> to vector<1024x256xf32>
      %max3A = arith.maximumf %slice3A, %slice3A_44 : vector<1024x256xf32>
      %min3A = arith.minimumf %slice3A_43, %slice3A_44 : vector<1024x256xf32>
      %slice3A_45 = vector.extract_strided_slice %dot_general3A_42 {offsets = [0, 512], sizes = [1024, 256], strides = [1, 1]} : vector<1024x16384xf32> to vector<1024x256xf32>
      %max3A_46 = arith.maximumf %max3A, %slice3A_45 : vector<1024x256xf32>
      %min3A_47 = arith.minimumf %min3A, %slice3A_45 : vector<1024x256xf32>
      %slice3A_48 = vector.extract_strided_slice %dot_general3A_42 {offsets = [0, 768], sizes = [1024, 256], strides = [1, 1]} : vector<1024x16384xf32> to vector<1024x256xf32>
      %max3A_49 = arith.maximumf %max3A_46, %slice3A_48 : vector<1024x256xf32>
      %min3A_50 = arith.minimumf %min3A_47, %slice3A_48 : vector<1024x256xf32>
      %slice3A_51 = vector.extract_strided_slice %dot_general3A_42 {offsets = [0, 1024], sizes = [1024, 256], strides = [1, 1]} : vector<1024x16384xf32> to vector<1024x256xf32>
      %max3A_52 = arith.maximumf %max3A_49, %slice3A_51 : vector<1024x256xf32>
      %min3A_53 = arith.minimumf %min3A_50, %slice3A_51 : vector<1024x256xf32>
      %slice3A_54 = vector.extract_strided_slice %dot_general3A_42 {offsets = [0, 1280], sizes = [1024, 256], strides = [1, 1]} : vector<1024x16384xf32> to vector<1024x256xf32>
      %max3A_55 = arith.maximumf %max3A_52, %slice3A_54 : vector<1024x256xf32>
      %min3A_56 = arith.minimumf %min3A_53, %slice3A_54 : vector<1024x256xf32>
      %slice3A_57 = vector.extract_strided_slice %dot_general3A_42 {offsets = [0, 1536], sizes = [1024, 256], strides = [1, 1]} : vector<1024x16384xf32> to vector<1024x256xf32>
      %max3A_58 = arith.maximumf %max3A_55, %slice3A_57 : vector<1024x256xf32>
      %min3A_59 = arith.minimumf %min3A_56, %slice3A_57 : vector<1024x256xf32>
      %slice3A_60 = vector.extract_strided_slice %dot_general3A_42 {offsets = [0, 1792], sizes = [1024, 256], strides = [1, 1]} : vector<1024x16384xf32> to vector<1024x256xf32>
      %max3A_61 = arith.maximumf %max3A_58, %slice3A_60 : vector<1024x256xf32>
      %min3A_62 = arith.minimumf %min3A_59, %slice3A_60 : vector<1024x256xf32>
      %slice3A_63 = vector.extract_strided_slice %dot_general3A_42 {offsets = [0, 2048], sizes = [1024, 256], strides = [1, 1]} : vector<1024x16384xf32> to vector<1024x256xf32>
      %max3A_64 = arith.maximumf %max3A_61, %slice3A_63 : vector<1024x256xf32>
      %min3A_65 = arith.minimumf %min3A_62, %slice3A_63 : vector<1024x256xf32>
      %slice3A_66 = vector.extract_strided_slice %dot_general3A_42 {offsets = [0, 2304], sizes = [1024, 256], strides = [1, 1]} : vector<1024x16384xf32> to vector<1024x256xf32>
      %max3A_67 = arith.maximumf %max3A_64, %slice3A_66 : vector<1024x256xf32>
      %min3A_68 = arith.minimumf %min3A_65, %slice3A_66 : vector<1024x256xf32>
      %slice3A_69 = vector.extract_strided_slice %dot_general3A_42 {offsets = [0, 2560], sizes = [1024, 256], strides = [1, 1]} : vector<1024x16384xf32> to vector<1024x256xf32>
      %max3A_70 = arith.maximumf %max3A_67, %slice3A_69 : vector<1024x256xf32>
      %min3A_71 = arith.minimumf %min3A_68, %slice3A_69 : vector<1024x256xf32>
      %slice3A_72 = vector.extract_strided_slice %dot_general3A_42 {offsets = [0, 2816], sizes = [1024, 256], strides = [1, 1]} : vector<1024x16384xf32> to vector<1024x256xf32>
      %max3A_73 = arith.maximumf %max3A_70, %slice3A_72 : vector<1024x256xf32>
      %min3A_74 = arith.minimumf %min3A_71, %slice3A_72 : vector<1024x256xf32>
      %slice3A_75 = vector.extract_strided_slice %dot_general3A_42 {offsets = [0, 3072], sizes = [1024, 256], strides = [1, 1]} : vector<1024x16384xf32> to vector<1024x256xf32>
      %max3A_76 = arith.maximumf %max3A_73, %slice3A_75 : vector<1024x256xf32>
      %min3A_77 = arith.minimumf %min3A_74, %slice3A_75 : vector<1024x256xf32>
      %slice3A_78 = vector.extract_strided_slice %dot_general3A_42 {offsets = [0, 3328], sizes = [1024, 256], strides = [1, 1]} : vector<1024x16384xf32> to vector<1024x256xf32>
      %max3A_79 = arith.maximumf %max3A_76, %slice3A_78 : vector<1024x256xf32>
      %min3A_80 = arith.minimumf %min3A_77, %slice3A_78 : vector<1024x256xf32>
      %slice3A_81 = vector.extract_strided_slice %dot_general3A_42 {offsets = [0, 3584], sizes = [1024, 256], strides = [1, 1]} : vector<1024x16384xf32> to vector<1024x256xf32>
      %max3A_82 = arith.maximumf %max3A_79, %slice3A_81 : vector<1024x256xf32>
      %min3A_83 = arith.minimumf %min3A_80, %slice3A_81 : vector<1024x256xf32>
      %slice3A_84 = vector.extract_strided_slice %dot_general3A_42 {offsets = [0, 3840], sizes = [1024, 256], strides = [1, 1]} : vector<1024x16384xf32> to vector<1024x256xf32>
      %max3A_85 = arith.maximumf %max3A_82, %slice3A_84 : vector<1024x256xf32>
      %min3A_86 = arith.minimumf %min3A_83, %slice3A_84 : vector<1024x256xf32>
      %slice3A_87 = vector.extract_strided_slice %dot_general3A_42 {offsets = [0, 4096], sizes = [1024, 256], strides = [1, 1]} : vector<1024x16384xf32> to vector<1024x256xf32>
      %max3A_88 = arith.maximumf %max3A_85, %slice3A_87 : vector<1024x256xf32>
      %min3A_89 = arith.minimumf %min3A_86, %slice3A_87 : vector<1024x256xf32>
      %slice3A_90 = vector.extract_strided_slice %dot_general3A_42 {offsets = [0, 4352], sizes = [1024, 256], strides = [1, 1]} : vector<1024x16384xf32> to vector<1024x256xf32>
      %max3A_91 = arith.maximumf %max3A_88, %slice3A_90 : vector<1024x256xf32>
      %min3A_92 = arith.minimumf %min3A_89, %slice3A_90 : vector<1024x256xf32>
      %slice3A_93 = vector.extract_strided_slice %dot_general3A_42 {offsets = [0, 4608], sizes = [1024, 256], strides = [1, 1]} : vector<1024x16384xf32> to vector<1024x256xf32>
      %max3A_94 = arith.maximumf %max3A_91, %slice3A_93 : vector<1024x256xf32>
      %min3A_95 = arith.minimumf %min3A_92, %slice3A_93 : vector<1024x256xf32>
      %slice3A_96 = vector.extract_strided_slice %dot_general3A_42 {offsets = [0, 4864], sizes = [1024, 256], strides = [1, 1]} : vector<1024x16384xf32> to vector<1024x256xf32>
      %max3A_97 = arith.maximumf %max3A_94, %slice3A_96 : vector<1024x256xf32>
      %min3A_98 = arith.minimumf %min3A_95, %slice3A_96 : vector<1024x256xf32>
      %slice3A_99 = vector.extract_strided_slice %dot_general3A_42 {offsets = [0, 5120], sizes = [1024, 256], strides = [1, 1]} : vector<1024x16384xf32> to vector<1024x256xf32>
      %max3A_100 = arith.maximumf %max3A_97, %slice3A_99 : vector<1024x256xf32>
      %min3A_101 = arith.minimumf %min3A_98, %slice3A_99 : vector<1024x256xf32>
      %slice3A_102 = vector.extract_strided_slice %dot_general3A_42 {offsets = [0, 5376], sizes = [1024, 256], strides = [1, 1]} : vector<1024x16384xf32> to vector<1024x256xf32>
      %max3A_103 = arith.maximumf %max3A_100, %slice3A_102 : vector<1024x256xf32>
      %min3A_104 = arith.minimumf %min3A_101, %slice3A_102 : vector<1024x256xf32>
      %slice3A_105 = vector.extract_strided_slice %dot_general3A_42 {offsets = [0, 5632], sizes = [1024, 256], strides = [1, 1]} : vector<1024x16384xf32> to vector<1024x256xf32>
      %max3A_106 = arith.maximumf %max3A_103, %slice3A_105 : vector<1024x256xf32>
      %min3A_107 = arith.minimumf %min3A_104, %slice3A_105 : vector<1024x256xf32>
      %slice3A_108 = vector.extract_strided_slice %dot_general3A_42 {offsets = [0, 5888], sizes = [1024, 256], strides = [1, 1]} : vector<1024x16384xf32> to vector<1024x256xf32>
      %max3A_109 = arith.maximumf %max3A_106, %slice3A_108 : vector<1024x256xf32>
      %min3A_110 = arith.minimumf %min3A_107, %slice3A_108 : vector<1024x256xf32>
      %slice3A_111 = vector.extract_strided_slice %dot_general3A_42 {offsets = [0, 6144], sizes = [1024, 256], strides = [1, 1]} : vector<1024x16384xf32> to vector<1024x256xf32>
      %max3A_112 = arith.maximumf %max3A_109, %slice3A_111 : vector<1024x256xf32>
      %min3A_113 = arith.minimumf %min3A_110, %slice3A_111 : vector<1024x256xf32>
      %slice3A_114 = vector.extract_strided_slice %dot_general3A_42 {offsets = [0, 6400], sizes = [1024, 256], strides = [1, 1]} : vector<1024x16384xf32> to vector<1024x256xf32>
      %max3A_115 = arith.maximumf %max3A_112, %slice3A_114 : vector<1024x256xf32>
      %min3A_116 = arith.minimumf %min3A_113, %slice3A_114 : vector<1024x256xf32>
      %slice3A_117 = vector.extract_strided_slice %dot_general3A_42 {offsets = [0, 6656], sizes = [1024, 256], strides = [1, 1]} : vector<1024x16384xf32> to vector<1024x256xf32>
      %max3A_118 = arith.maximumf %max3A_115, %slice3A_117 : vector<1024x256xf32>
      %min3A_119 = arith.minimumf %min3A_116, %slice3A_117 : vector<1024x256xf32>
      %slice3A_120 = vector.extract_strided_slice %dot_general3A_42 {offsets = [0, 6912], sizes = [1024, 256], strides = [1, 1]} : vector<1024x16384xf32> to vector<1024x256xf32>
      %max3A_121 = arith.maximumf %max3A_118, %slice3A_120 : vector<1024x256xf32>
      %min3A_122 = arith.minimumf %min3A_119, %slice3A_120 : vector<1024x256xf32>
      %slice3A_123 = vector.extract_strided_slice %dot_general3A_42 {offsets = [0, 7168], sizes = [1024, 256], strides = [1, 1]} : vector<1024x16384xf32> to vector<1024x256xf32>
      %max3A_124 = arith.maximumf %max3A_121, %slice3A_123 : vector<1024x256xf32>
      %min3A_125 = arith.minimumf %min3A_122, %slice3A_123 : vector<1024x256xf32>
      %slice3A_126 = vector.extract_strided_slice %dot_general3A_42 {offsets = [0, 7424], sizes = [1024, 256], strides = [1, 1]} : vector<1024x16384xf32> to vector<1024x256xf32>
      %max3A_127 = arith.maximumf %max3A_124, %slice3A_126 : vector<1024x256xf32>
      %min3A_128 = arith.minimumf %min3A_125, %slice3A_126 : vector<1024x256xf32>
      %slice3A_129 = vector.extract_strided_slice %dot_general3A_42 {offsets = [0, 7680], sizes = [1024, 256], strides = [1, 1]} : vector<1024x16384xf32> to vector<1024x256xf32>
      %max3A_130 = arith.maximumf %max3A_127, %slice3A_129 : vector<1024x256xf32>
      %min3A_131 = arith.minimumf %min3A_128, %slice3A_129 : vector<1024x256xf32>
      %slice3A_132 = vector.extract_strided_slice %dot_general3A_42 {offsets = [0, 7936], sizes = [1024, 256], strides = [1, 1]} : vector<1024x16384xf32> to vector<1024x256xf32>
      %max3A_133 = arith.maximumf %max3A_130, %slice3A_132 : vector<1024x256xf32>
      %min3A_134 = arith.minimumf %min3A_131, %slice3A_132 : vector<1024x256xf32>
      %slice3A_135 = vector.extract_strided_slice %dot_general3A_42 {offsets = [0, 8192], sizes = [1024, 256], strides = [1, 1]} : vector<1024x16384xf32> to vector<1024x256xf32>
      %max3A_136 = arith.maximumf %max3A_133, %slice3A_135 : vector<1024x256xf32>
      %min3A_137 = arith.minimumf %min3A_134, %slice3A_135 : vector<1024x256xf32>
      %slice3A_138 = vector.extract_strided_slice %dot_general3A_42 {offsets = [0, 8448], sizes = [1024, 256], strides = [1, 1]} : vector<1024x16384xf32> to vector<1024x256xf32>
      %max3A_139 = arith.maximumf %max3A_136, %slice3A_138 : vector<1024x256xf32>
      %min3A_140 = arith.minimumf %min3A_137, %slice3A_138 : vector<1024x256xf32>
      %slice3A_141 = vector.extract_strided_slice %dot_general3A_42 {offsets = [0, 8704], sizes = [1024, 256], strides = [1, 1]} : vector<1024x16384xf32> to vector<1024x256xf32>
      %max3A_142 = arith.maximumf %max3A_139, %slice3A_141 : vector<1024x256xf32>
      %min3A_143 = arith.minimumf %min3A_140, %slice3A_141 : vector<1024x256xf32>
      %slice3A_144 = vector.extract_strided_slice %dot_general3A_42 {offsets = [0, 8960], sizes = [1024, 256], strides = [1, 1]} : vector<1024x16384xf32> to vector<1024x256xf32>
      %max3A_145 = arith.maximumf %max3A_142, %slice3A_144 : vector<1024x256xf32>
      %min3A_146 = arith.minimumf %min3A_143, %slice3A_144 : vector<1024x256xf32>
      %slice3A_147 = vector.extract_strided_slice %dot_general3A_42 {offsets = [0, 9216], sizes = [1024, 256], strides = [1, 1]} : vector<1024x16384xf32> to vector<1024x256xf32>
      %max3A_148 = arith.maximumf %max3A_145, %slice3A_147 : vector<1024x256xf32>
      %min3A_149 = arith.minimumf %min3A_146, %slice3A_147 : vector<1024x256xf32>
      %slice3A_150 = vector.extract_strided_slice %dot_general3A_42 {offsets = [0, 9472], sizes = [1024, 256], strides = [1, 1]} : vector<1024x16384xf32> to vector<1024x256xf32>
      %max3A_151 = arith.maximumf %max3A_148, %slice3A_150 : vector<1024x256xf32>
      %min3A_152 = arith.minimumf %min3A_149, %slice3A_150 : vector<1024x256xf32>
      %slice3A_153 = vector.extract_strided_slice %dot_general3A_42 {offsets = [0, 9728], sizes = [1024, 256], strides = [1, 1]} : vector<1024x16384xf32> to vector<1024x256xf32>
      %max3A_154 = arith.maximumf %max3A_151, %slice3A_153 : vector<1024x256xf32>
      %min3A_155 = arith.minimumf %min3A_152, %slice3A_153 : vector<1024x256xf32>
      %slice3A_156 = vector.extract_strided_slice %dot_general3A_42 {offsets = [0, 9984], sizes = [1024, 256], strides = [1, 1]} : vector<1024x16384xf32> to vector<1024x256xf32>
      %max3A_157 = arith.maximumf %max3A_154, %slice3A_156 : vector<1024x256xf32>
      %min3A_158 = arith.minimumf %min3A_155, %slice3A_156 : vector<1024x256xf32>
      %slice3A_159 = vector.extract_strided_slice %dot_general3A_42 {offsets = [0, 10240], sizes = [1024, 256], strides = [1, 1]} : vector<1024x16384xf32> to vector<1024x256xf32>
      %max3A_160 = arith.maximumf %max3A_157, %slice3A_159 : vector<1024x256xf32>
      %min3A_161 = arith.minimumf %min3A_158, %slice3A_159 : vector<1024x256xf32>
      %slice3A_162 = vector.extract_strided_slice %dot_general3A_42 {offsets = [0, 10496], sizes = [1024, 256], strides = [1, 1]} : vector<1024x16384xf32> to vector<1024x256xf32>
      %max3A_163 = arith.maximumf %max3A_160, %slice3A_162 : vector<1024x256xf32>
      %min3A_164 = arith.minimumf %min3A_161, %slice3A_162 : vector<1024x256xf32>
      %slice3A_165 = vector.extract_strided_slice %dot_general3A_42 {offsets = [0, 10752], sizes = [1024, 256], strides = [1, 1]} : vector<1024x16384xf32> to vector<1024x256xf32>
      %max3A_166 = arith.maximumf %max3A_163, %slice3A_165 : vector<1024x256xf32>
      %min3A_167 = arith.minimumf %min3A_164, %slice3A_165 : vector<1024x256xf32>
      %slice3A_168 = vector.extract_strided_slice %dot_general3A_42 {offsets = [0, 11008], sizes = [1024, 256], strides = [1, 1]} : vector<1024x16384xf32> to vector<1024x256xf32>
      %max3A_169 = arith.maximumf %max3A_166, %slice3A_168 : vector<1024x256xf32>
      %min3A_170 = arith.minimumf %min3A_167, %slice3A_168 : vector<1024x256xf32>
      %slice3A_171 = vector.extract_strided_slice %dot_general3A_42 {offsets = [0, 11264], sizes = [1024, 256], strides = [1, 1]} : vector<1024x16384xf32> to vector<1024x256xf32>
      %max3A_172 = arith.maximumf %max3A_169, %slice3A_171 : vector<1024x256xf32>
      %min3A_173 = arith.minimumf %min3A_170, %slice3A_171 : vector<1024x256xf32>
      %slice3A_174 = vector.extract_strided_slice %dot_general3A_42 {offsets = [0, 11520], sizes = [1024, 256], strides = [1, 1]} : vector<1024x16384xf32> to vector<1024x256xf32>
      %max3A_175 = arith.maximumf %max3A_172, %slice3A_174 : vector<1024x256xf32>
      %min3A_176 = arith.minimumf %min3A_173, %slice3A_174 : vector<1024x256xf32>
      %slice3A_177 = vector.extract_strided_slice %dot_general3A_42 {offsets = [0, 11776], sizes = [1024, 256], strides = [1, 1]} : vector<1024x16384xf32> to vector<1024x256xf32>
      %max3A_178 = arith.maximumf %max3A_175, %slice3A_177 : vector<1024x256xf32>
      %min3A_179 = arith.minimumf %min3A_176, %slice3A_177 : vector<1024x256xf32>
      %slice3A_180 = vector.extract_strided_slice %dot_general3A_42 {offsets = [0, 12032], sizes = [1024, 256], strides = [1, 1]} : vector<1024x16384xf32> to vector<1024x256xf32>
      %max3A_181 = arith.maximumf %max3A_178, %slice3A_180 : vector<1024x256xf32>
      %min3A_182 = arith.minimumf %min3A_179, %slice3A_180 : vector<1024x256xf32>
      %slice3A_183 = vector.extract_strided_slice %dot_general3A_42 {offsets = [0, 12288], sizes = [1024, 256], strides = [1, 1]} : vector<1024x16384xf32> to vector<1024x256xf32>
      %max3A_184 = arith.maximumf %max3A_181, %slice3A_183 : vector<1024x256xf32>
      %min3A_185 = arith.minimumf %min3A_182, %slice3A_183 : vector<1024x256xf32>
      %slice3A_186 = vector.extract_strided_slice %dot_general3A_42 {offsets = [0, 12544], sizes = [1024, 256], strides = [1, 1]} : vector<1024x16384xf32> to vector<1024x256xf32>
      %max3A_187 = arith.maximumf %max3A_184, %slice3A_186 : vector<1024x256xf32>
      %min3A_188 = arith.minimumf %min3A_185, %slice3A_186 : vector<1024x256xf32>
      %slice3A_189 = vector.extract_strided_slice %dot_general3A_42 {offsets = [0, 12800], sizes = [1024, 256], strides = [1, 1]} : vector<1024x16384xf32> to vector<1024x256xf32>
      %max3A_190 = arith.maximumf %max3A_187, %slice3A_189 : vector<1024x256xf32>
      %min3A_191 = arith.minimumf %min3A_188, %slice3A_189 : vector<1024x256xf32>
      %slice3A_192 = vector.extract_strided_slice %dot_general3A_42 {offsets = [0, 13056], sizes = [1024, 256], strides = [1, 1]} : vector<1024x16384xf32> to vector<1024x256xf32>
      %max3A_193 = arith.maximumf %max3A_190, %slice3A_192 : vector<1024x256xf32>
      %min3A_194 = arith.minimumf %min3A_191, %slice3A_192 : vector<1024x256xf32>
      %slice3A_195 = vector.extract_strided_slice %dot_general3A_42 {offsets = [0, 13312], sizes = [1024, 256], strides = [1, 1]} : vector<1024x16384xf32> to vector<1024x256xf32>
      %max3A_196 = arith.maximumf %max3A_193, %slice3A_195 : vector<1024x256xf32>
      %min3A_197 = arith.minimumf %min3A_194, %slice3A_195 : vector<1024x256xf32>
      %slice3A_198 = vector.extract_strided_slice %dot_general3A_42 {offsets = [0, 13568], sizes = [1024, 256], strides = [1, 1]} : vector<1024x16384xf32> to vector<1024x256xf32>
      %max3A_199 = arith.maximumf %max3A_196, %slice3A_198 : vector<1024x256xf32>
      %min3A_200 = arith.minimumf %min3A_197, %slice3A_198 : vector<1024x256xf32>
      %slice3A_201 = vector.extract_strided_slice %dot_general3A_42 {offsets = [0, 13824], sizes = [1024, 256], strides = [1, 1]} : vector<1024x16384xf32> to vector<1024x256xf32>
      %max3A_202 = arith.maximumf %max3A_199, %slice3A_201 : vector<1024x256xf32>
      %min3A_203 = arith.minimumf %min3A_200, %slice3A_201 : vector<1024x256xf32>
      %slice3A_204 = vector.extract_strided_slice %dot_general3A_42 {offsets = [0, 14080], sizes = [1024, 256], strides = [1, 1]} : vector<1024x16384xf32> to vector<1024x256xf32>
      %max3A_205 = arith.maximumf %max3A_202, %slice3A_204 : vector<1024x256xf32>
      %min3A_206 = arith.minimumf %min3A_203, %slice3A_204 : vector<1024x256xf32>
      %slice3A_207 = vector.extract_strided_slice %dot_general3A_42 {offsets = [0, 14336], sizes = [1024, 256], strides = [1, 1]} : vector<1024x16384xf32> to vector<1024x256xf32>
      %max3A_208 = arith.maximumf %max3A_205, %slice3A_207 : vector<1024x256xf32>
      %min3A_209 = arith.minimumf %min3A_206, %slice3A_207 : vector<1024x256xf32>
      %slice3A_210 = vector.extract_strided_slice %dot_general3A_42 {offsets = [0, 14592], sizes = [1024, 256], strides = [1, 1]} : vector<1024x16384xf32> to vector<1024x256xf32>
      %max3A_211 = arith.maximumf %max3A_208, %slice3A_210 : vector<1024x256xf32>
      %min3A_212 = arith.minimumf %min3A_209, %slice3A_210 : vector<1024x256xf32>
      %slice3A_213 = vector.extract_strided_slice %dot_general3A_42 {offsets = [0, 14848], sizes = [1024, 256], strides = [1, 1]} : vector<1024x16384xf32> to vector<1024x256xf32>
      %max3A_214 = arith.maximumf %max3A_211, %slice3A_213 : vector<1024x256xf32>
      %min3A_215 = arith.minimumf %min3A_212, %slice3A_213 : vector<1024x256xf32>
      %slice3A_216 = vector.extract_strided_slice %dot_general3A_42 {offsets = [0, 15104], sizes = [1024, 256], strides = [1, 1]} : vector<1024x16384xf32> to vector<1024x256xf32>
      %max3A_217 = arith.maximumf %max3A_214, %slice3A_216 : vector<1024x256xf32>
      %min3A_218 = arith.minimumf %min3A_215, %slice3A_216 : vector<1024x256xf32>
      %slice3A_219 = vector.extract_strided_slice %dot_general3A_42 {offsets = [0, 15360], sizes = [1024, 256], strides = [1, 1]} : vector<1024x16384xf32> to vector<1024x256xf32>
      %max3A_220 = arith.maximumf %max3A_217, %slice3A_219 : vector<1024x256xf32>
      %min3A_221 = arith.minimumf %min3A_218, %slice3A_219 : vector<1024x256xf32>
      %slice3A_222 = vector.extract_strided_slice %dot_general3A_42 {offsets = [0, 15616], sizes = [1024, 256], strides = [1, 1]} : vector<1024x16384xf32> to vector<1024x256xf32>
      %max3A_223 = arith.maximumf %max3A_220, %slice3A_222 : vector<1024x256xf32>
      %min3A_224 = arith.minimumf %min3A_221, %slice3A_222 : vector<1024x256xf32>
      %slice3A_225 = vector.extract_strided_slice %dot_general3A_42 {offsets = [0, 15872], sizes = [1024, 256], strides = [1, 1]} : vector<1024x16384xf32> to vector<1024x256xf32>
      %max3A_226 = arith.maximumf %max3A_223, %slice3A_225 : vector<1024x256xf32>
      %min3A_227 = arith.minimumf %min3A_224, %slice3A_225 : vector<1024x256xf32>
      %slice3A_228 = vector.extract_strided_slice %dot_general3A_42 {offsets = [0, 16128], sizes = [1024, 256], strides = [1, 1]} : vector<1024x16384xf32> to vector<1024x256xf32>
      %max3A_229 = arith.maximumf %max3A_226, %slice3A_228 : vector<1024x256xf32>
      %min3A_230 = arith.minimumf %min3A_227, %slice3A_228 : vector<1024x256xf32>
      %max3A_231 = arith.maximumf %scan3A_34, %max3A_229 : vector<1024x256xf32>
      %min3A_232 = arith.minimumf %scan3A_35, %min3A_230 : vector<1024x256xf32>
      scf.yield %max3A_231, %min3A_232 : vector<1024x256xf32>, vector<1024x256xf32>
    }
    %scan3A_20 = arith.constant 4 : i32
    %neg3A = arith.constant 0.000000e+00 : f32
    %neg3A_21 = vector.broadcast %neg3A : f32 to vector<1024x256xf32>
    %neg3A_22 = arith.subf %neg3A_21, %scan3A_19#1 : vector<1024x256xf32>
    %ge3A = arith.cmpf oge, %scan3A_19#0, %neg3A_22 : vector<1024x256xf32>
    %select_n3A = arith.select %ge3A, %scan3A_19#0, %scan3A_19#1 : vector<1024x256xi1>, vector<1024x256xf32>
    %neg3A_23 = arith.constant 0.000000e+00 : f32
    %neg3A_24 = vector.broadcast %neg3A_23 : f32 to vector<1024x256xf32>
    %neg3A_25 = arith.subf %neg3A_24, %select_n3A : vector<1024x256xf32>
    %exp3A = math.exp %neg3A_25 : vector<1024x256xf32>
    %add3A_26 = arith.constant 1.000000e+00 : f32
    %add3A_27 = vector.broadcast %add3A_26 : f32 to vector<1024x256xf32>
    %add3A_28 = arith.addf %add3A_27, %exp3A : vector<1024x256xf32>
    %div3A = arith.constant 1.000000e+00 : f32
    %div3A_29 = vector.broadcast %div3A : f32 to vector<1024x256xf32>
    %div3A_30 = arith.divf %div3A_29, %add3A_28 : vector<1024x256xf32>
    %mul3A = arith.mulf %add3A_9, %div3A_30 : vector<1024x256xf32>
    %swap3A = arith.constant 0 : index
    %swap3A_31 = arith.constant 0 : index
    %swap3A_32 = vector.load %arg6[%swap3A, %swap3A_31] : memref<1024x256xf32, #tpu.memory_space<vmem>>, vector<1024x256xf32>
    tpu.vector_store %arg6[%swap3A, %swap3A_31], %mul3A {strides = array<i32>} : memref<1024x256xf32, #tpu.memory_space<vmem>>, vector<1024x256xf32>,
    return
  }
  func.func @transform_0(%arg0: i32) -> (i32, i32) {
    %c0_i32 = arith.constant 0 : i32
    %c0_i32_0 = arith.constant 0 : i32
    return %arg0, %c0_i32 : i32, i32
  }
  func.func @transform_1(%arg0: i32) -> (i32, i32) {
    %c0_i32 = arith.constant 0 : i32
    %c0_i32_0 = arith.constant 0 : i32
    return %arg0, %c0_i32 : i32, i32
  }
  func.func @transform_2(%arg0: i32) -> (i32, i32) {
    %c0_i32 = arith.constant 0 : i32
    %c0_i32_0 = arith.constant 0 : i32
    %c0_i32_1 = arith.constant 0 : i32
    return %c0_i32, %c0_i32_0 : i32, i32
  }
  func.func @transform_3(%arg0: i32) -> (i32, i32) {
    %c0_i32 = arith.constant 0 : i32
    %c0_i32_0 = arith.constant 0 : i32
    %c0_i32_1 = arith.constant 0 : i32
    return %c0_i32, %c0_i32_0 : i32, i32
  }
  func.func @transform_4(%arg0: i32) -> (i32, i32) {
    %c0_i32 = arith.constant 0 : i32
    %c0_i32_0 = arith.constant 0 : i32
    %c0_i32_1 = arith.constant 0 : i32
    return %c0_i32, %c0_i32_0 : i32, i32
  }
  func.func @transform_5(%arg0: i32) -> (i32, i32) {
    %c0_i32 = arith.constant 0 : i32
    %c0_i32_0 = arith.constant 0 : i32
    return %arg0, %c0_i32 : i32, i32
  }
}

</mosaic_0001>

<sc_bundles>
// kernel: _run.4.cloned.1.call-start
scs
__scs_entry_jumppad:
0x0: {  	(pc) =	sbr.rel $0x88, $3  }
0x1: {  	(tag) =	ssettag $0x0;
	lr =	simm.s32 $0x1  }
0x2: {  	[smem:$0x3F9C] =	sst lr;
	_ =	strace $0xD0000000  }
0x3: {  	_ = 	snop  }
0x4: {  	_ = 	snop  }
0x5: {  	_ = 	snop  }
0x6: {  	_ = 	snop  }
0x7: {  	_ = 	snop  }
__scs_overlays_trampoline_lowered:
0x8: {  	[smem:$0x3FAB] =	sst s0  }
0x9: {  	[smem:$0x3FAC] =	sst s1  }
0xa: {  	[smem:$0x3FAD] =	sst s2  }
0xb: {  	[smem:$0x3FAE] =	sst s3  }
0xc: {  	[smem:$0x3FAF] =	sst s4  }
0xd: {  	[smem:$0x3FB0] =	sst s5  }
0xe: {  	[smem:$0x3FB1] =	sst s6  }
0xf: {  	[smem:$0x3FB2] =	sst s7  }
0x10: {  	[smem:$0x3FB3] =	sst s8  }
0x11: {  	[smem:$0x3FB4] =	sst s9;
	s0 =	simm.s32 @!p0 $0x0  }
0x12: {  	s1 =	sld [smem:$0x3F9A];
	s0 =	simm.s32 @p0 $0x1  }
0x13: {  	[smem:$0x3FB5] =	sst s0;
	s0 =	simm.s32 @!p1 $0x0  }
0x14: {  	s2 =	sld [smem:$0x3F99];
	s0 =	simm.s32 @p1 $0x1  }
0x15: {  	[smem:$0x3FB6] =	sst s0;
	s0 =	simm.s32 @!p2 $0x0  }
0x16: {  	s3 =	sld [smem:$0x3FDB];
	s0 =	simm.s32 @p2 $0x1  }
0x17: {  	s4 =	simm.s32 $0x1BF5;
	[smem:$0x3FB8] =	sst s0  }
0x18: {  	s0 =	sld [smem:$0x3F9B];
	_ =	swait.ge [sflag:s4], $0x0  }
0x19: {  	s7 =	sld [smem:$0x3F9C]  }
0x1a: {  	s8 =	sadd.s32 $0xFFFFE003, lr  }
0x1b: {  	s9 =	sadd.s32 $0xFFFFFEF7, lr;
	s5 =	simm.s32 $0xFFFFFFFF;
	p2 =	slt.u32 s8, $0xFFFFF086  }
0x1c: {  	p1 =	slt.u32 s9, $0xF7A;
	s5 =	simm.s32 @!p2 $0x0  }
0x1d: {  	s5 =	simm.s32 @p1 $0x1;
	p0 =	seq.s32 s7, s2  }
0x1e: {  	s7 =	smul.u32 @!p0 $0xF7A, s2;
	p2 =	seq.s32 @!p0 s5, $0x0  }
0x1f: {  	s9 =	smul.u32 $0xF7A, s1;
	s8 =	simm.s32 @!p0 $0x1BF5;
	p2 =	por !p2, p0  }
0x20: {  	[sflag:s8] =	ssyncset.s32 @!p0 $0xFFFFF086;
	s6 =	sadd.s32 @!p0 s3, s7;
	s7 =	simm.s32 @!p0 $0x108  }
0x21: {  	s3 =	sadd.s32 s3, s9;
	s6 =	sadd.s32 @!p0 $0x88, s6;
	s7 =	simm.s32 @p2 $0x1082  }
0x22: {  	[simem:s7], [sflag:s8] =	dma.local @!p0 [hbm:s6], $0xF7A  }
0x23: {  	s9 =	sor.u32 $0xD0000000, s2;
	s6 =	simm.s32 $0x108;
	_ =	swait.ge @!p0 [sflag:s8], $0x0  }
0x24: {  	s3 =	sadd.s32 $0x88, s3;
	s6 =	simm.s32 @!p1 $0x1082;
	[sflag:s4] =	ssyncset.s32 $0xFFFFF086  }
0x25: {  	[simem:s6], [sflag:s4] =	dma.local [hbm:s3], $0xF7A  }
0x26: {  	[smem:$0x3F9C] =	sst s1;
	(tag) =	ssettag s2;
	_ =	strace s9  }
0x27: {  	s1 =	sld [smem:$0x3FAC]  }
0x28: {  	s2 =	sld [smem:$0x3FAD]  }
0x29: {  	s4 =	sld [smem:$0x3FAF]  }
0x2a: {  	p0 =	seq.s32 s5, $0x0;
	s5 =	sld [smem:$0x3FB0]  }
0x2b: {  	s6 =	sld [smem:$0x3FB1]  }
0x2c: {  	s7 =	sld [smem:$0x3FB2]  }
0x2d: {  	s3 =	simm.s32 $0x108;
	s8 =	sld [smem:$0x3FB3]  }
0x2e: {  	s3 =	simm.s32 @!p0 $0x1082;
	s9 =	sld [smem:$0x3FB4]  }
0x2f: {  	lr =	sadd.s32 s0, s3;
	s0 =	sld [smem:$0x3FAB]  }
0x30: {  	s3 =	sld [smem:$0x3FAE]  }
0x31: {  	[smem:$0x3FB7] =	sst s10  }
0x32: {  	s10 =	sld [smem:$0x3FB5];
	_ =	sdelay $0x3  }
0x33: {  	p0 =	seq.s32 s10, $0x1;
	s10 =	sld [smem:$0x3FB7];
	_ =	sdelay $0x3  }
0x34: {  	[smem:$0x3FB7] =	sst s10  }
0x35: {  	s10 =	sld [smem:$0x3FB6];
	_ =	sdelay $0x3  }
0x36: {  	p1 =	seq.s32 s10, $0x1;
	s10 =	sld [smem:$0x3FB7];
	_ =	sdelay $0x3  }
0x37: {  	[smem:$0x3FB7] =	sst s10  }
0x38: {  	s10 =	sld [smem:$0x3FB8]  }
0x39: {  	_ = 	snop;
	(pc) =	sbr.ind lr, $3  }
0x3a: {  	_ = 	snop  }
0x3b: {  	_ = 	snop  }
0x3c: {  	p2 =	seq.s32 s10, $0x1;
	s10 =	sld [smem:$0x3FB7]  }
0x3d: {  	_ =	shalt  }
0x3e: {  	_ =	shalt  }
0x3f: {  	_ =	shalt  }
0x40: {  	_ =	shalt  }
0x41: {  	_ =	shalt  }
0x42: {  	_ =	shalt  }
0x43: {  	_ =	shalt  }
0x44: {  	_ =	shalt  }
0x45: {  	_ =	shalt  }
0x46: {  	_ =	shalt  }
0x47: {  	_ =	shalt  }
0x48: {  	_ =	shalt  }
0x49: {  	_ =	shalt  }
0x4a: {  	_ =	shalt  }
0x4b: {  	_ =	shalt  }
0x4c: {  	_ =	shalt  }
0x4d: {  	_ =	shalt  }
0x4e: {  	_ =	shalt  }
0x4f: {  	_ =	shalt  }
0x50: {  	_ =	shalt  }
0x51: {  	_ =	shalt  }
0x52: {  	_ =	shalt  }
0x53: {  	_ =	shalt  }
0x54: {  	_ =	shalt  }
0x55: {  	_ =	shalt  }
0x56: {  	_ =	shalt  }
0x57: {  	_ =	shalt  }
0x58: {  	_ =	shalt  }
0x59: {  	_ =	shalt  }
0x5a: {  	_ =	shalt  }
0x5b: {  	_ =	shalt  }
0x5c: {  	_ =	shalt  }
0x5d: {  	_ =	shalt  }
0x5e: {  	_ =	shalt  }
0x5f: {  	_ =	shalt  }
0x60: {  	_ =	shalt  }
0x61: {  	_ =	shalt  }
0x62: {  	_ =	shalt  }
0x63: {  	_ =	shalt  }
0x64: {  	_ =	shalt  }
0x65: {  	_ =	shalt  }
0x66: {  	_ =	shalt  }
0x67: {  	_ =	shalt  }
0x68: {  	_ =	shalt  }
0x69: {  	_ =	shalt  }
0x6a: {  	_ =	shalt  }
0x6b: {  	_ =	shalt  }
0x6c: {  	_ =	shalt  }
0x6d: {  	_ =	shalt  }
0x6e: {  	_ =	shalt  }
0x6f: {  	_ =	shalt  }
0x70: {  	_ =	shalt  }
0x71: {  	_ =	shalt  }
0x72: {  	_ =	shalt  }
0x73: {  	_ =	shalt  }
0x74: {  	_ =	shalt  }
0x75: {  	_ =	shalt  }
0x76: {  	_ =	shalt  }
0x77: {  	_ =	shalt  }
0x78: {  	_ =	shalt  }
0x79: {  	_ =	shalt  }
0x7a: {  	_ =	shalt  }
0x7b: {  	_ =	shalt  }
0x7c: {  	_ =	shalt  }
0x7d: {  	_ =	shalt  }
0x7e: {  	_ =	shalt  }
0x7f: {  	_ =	shalt  }
0x80: {  	_ =	shalt  }
0x81: {  	_ =	shalt  }
0x82: {  	_ =	shalt  }
0x83: {  	_ =	shalt  }
0x84: {  	_ =	shalt  }
0x85: {  	_ =	shalt  }
0x86: {  	_ =	shalt  }
0x87: {  	_ =	shalt  }
.Lfunc_end0:
.L_simem_size_0:
called_computation_lowered:
.L_overlay_start_0:
0x88: {  	s2 =	sld [smem:$0x3FD9]  }
0x89: {  	s3 =	sld [smem:$0x3FFE];
	_ =	sdelay $0x1  }
0x8a: {  	s1 =	srdreg.scid  }
0x8b: {  	s0 =	sand.u32 $0x1, s1  }
0x8c: {  	s17 =	sshll.u32 s0, $0xA;
	s2 =	sadd.s32 s3, s2  }
0x8d: {  	s2 =	sadd.s32 s2, s17  }
0x8e: {  	[smem:$0x3FC3] =	sst s2  }
0x8f: {  	_ = 	snop  }
0x90: {  	s2 =	sld [smem:$0x3FD0];
	(tm) =	ssettm $0x1  }
0x91: {  	s18 =	sld [smem:$0x3FFB];
	_ =	sdelay $0x3  }
0x92: {  	_ =	strace s18  }
0x93: {  	s3 =	sld [smem:$0x3FFC];
	_ =	sdelay $0x3  }
0x94: {  	_ =	strace s3  }
0x95: {  	s3 =	sld [smem:$0x3FFD];
	_ =	sdelay $0x3  }
0x96: {  	_ =	strace s3  }
0x97: {  	_ =	strace $0x8FFFFFFF  }
0x98: {  	s19 =	sld [smem:$0x3FDB];
	_ =	sdelay $0x1  }
0x99: {  	s4 =	simm.s32 $_scs_section_size  }
0x9a: {  	s5 =	simm.s32 $_size__tile_overlayer_lowered;
	s6 =	simm.s32 $_tile_overlayer_lowered  }
0x9b: {  	s22 =	simm.s32 $0x1BFF;
	s21 =	sshll.u32 s6, $0x1;
	s3 =	sadd.s32 s4, s19  }
0x9c: {  	s7 =	simm.s32 $0x0;
	s20 =	sshll.u32 s5, $0x1;
	s5 =	sadd.s32 s21, s3  }
0x9d: {  	[timem:s7], [sflag:s22] =	dma.local [hbm:s5], s20  }
0x9e: {  	_ =	swait.ge [sflag:s22], s20  }
0x9f: {  	s4 =	ssub.s32 $0x0, s20;
	[sflag:s22] =	ssyncset.done $0x0  }
0xa0: {  	[sflag:s22] =	ssyncadd.s32 s4;
	_ =	sdelay $0x1  }
0xa1: {  	s23 =	simm.s32 $0x1B8B  }
0xa2: {  	_ =	swait.ge [sflag:s23], $0x1  }
0xa3: {  	[sflag:s23] =	ssyncset.done $0x0  }
0xa4: {  	s25 =	simm.s32 $0x1B8E;
	s24 =	sld [smem:$0x3FFE];
	[sflag:s23] =	ssyncadd.s32 $0xFFFFFFFF  }
0xa5: {  	s26 =	simm.s32 $execute0_lowered;
	[smem:$0x3FD2] =	sst s25  }
0xa6: {  	s5 =	sshll.u32 s26, $0x1;
	_ =	strace $0x80000046;
	[dreg:$0x1] =	wrdreg $0xFFFFFFFF  }
0xa7: {  	s28 =	simm.s32 $_size_execute0_lowered;
	s3 =	sadd.s32 s3, s5;
	[dreg:$0x0] =	wrdreg $0x0  }
0xa8: {  	s5 =	sshll.u32 s28, $0x1;
	[dreg:$0x2] =	wrdreg s3  }
0xa9: {  	[dreg:$0x3] =	wrdreg s5  }
0xaa: {  	[dreg:$0x4] =	wrdreg $0xC0  }
0xab: {  	_ =	task [dreg:s7], $0x5FFFF  }
0xac: {  	[dreg:$0x1] =	wrdreg $0xFFFFFFFF  }
0xad: {  	[dreg:$0x0] =	wrdreg $0x60  }
0xae: {  	[dreg:$0x2] =	wrdreg s24  }
0xaf: {  	[dreg:$0x3] =	wrdreg s2  }
0xb0: {  	[dreg:$0x4] =	wrdreg $0x9  }
0xb1: {  	_ =	task.clear_ibuf [dreg:s7], $0x5FFFF;
	_ =	strace $0x90000046  }
0xb2: {  	s29 =	simm.s32 $0x9;
	_ =	strace $0x80000048  }
0xb3: {  	_ =	swait.ge [sflag:s29], $0x1  }
0xb4: {  	[sflag:s29] =	ssyncadd.s32 $0xFFFFFFFF  }
0xb5: {  	_ =	strace $0x90000048  }
0xb6: {  	_ =	sfence  }
0xb7: {  	s30 =	sld [smem:$0x0];
	_ =	sdelay $0x2  }
0xb8: {  	s31 =	sshll.u32 s1, $0xD;
	s1 =	sshrl.u32 s1, $0x2  }
0xb9: {  	s3 =	sand.u32 $0x4000, s31;
	s1 =	sadd.s32 s1, s30  }
0xba: {  	s0 =	sor.u32 s3, s0;
	s1 =	sshll.u32 s1, $0x11  }
0xbb: {  	s0 =	sor.u32 s1, s0  }
0xbc: {  	s0 =	sadd.s32 $0x8F2B, s0  }
0xbd: {  	[sflag:s0] =	ssyncadd.remote.s32 $0x1  }
0xbe: {  	_ =	sfence.sel $0xFFFF  }
0xbf: {  	[dreg:$0x0] =	wrdreg $0xFFFFFFFF;
	(pc) =	sbr.abs _section_cstart, $3  }
0xc0: {  	[dreg:$0x1] =	wrdreg $0xFFFFFFFF  }
0xc1: {  	_ =	task.clear_ibuf [dreg:s7], $0x2FFFF;
	_ =	strace $0x9FFFFFFF  }
0xc2: {  	(tm) =	ssettm $0x7FFFFFFF  }
0xc3: {  	_ =	shalt  }
tec
execute0_lowered:
.L_overlay_start_1:
0x0: {  	(tag) =	ssettag $0x1  }
0x1: {  	s3 =	rddreg [dreg:$0x0]  }
0x2: {  	s4 =	rddreg [dreg:$0x1]  }
0x3: {  	s0 =	rddreg [dreg:$0x2];
	s5 =	srdreg.scid  }
0x4: {  	s2 =	simm.s32 $0x0;
	s1 =	stileid.u32;
	s8 =	simm.s32 $0x0  }
0x5: {  	s5 =	sand.u32 $0x1, s5;
	s6 =	sshll.u32 s1, $0xC;
	[smem:$0x7FF] =	sst s2  }
0x6: {  	v0 =	vlaneseq.u32;
	s7 =	sshll.u32 s5, $0xB;
	s5 =	ssub.s32 $0x2, s5;
	_ =	strace $0x80000047  }
0x7: {  	v0 =	vmul.u32 $0xFFFFFFFF, v0;
	s6 =	sor.u32 s7, s6;
	s31 =	sshrl.u32 s5, $0x1;
	s7 =	simm.s32 $0x4000  }
0x8: {  	s3 =	sadd.s32 s6, s3;
	s5 =	ssub.s32 s5, s31;
	s4 =	sadd.s32 s4, s6  }
0x9: {  	v0 =	vadd.s32 $0xF, v0;
	s6 =	simm.s32 $0x1;
	s3 =	sadd.s32 $0xE00, s3;
	s5 =	smax.u32 s5, $0x1  }
.LBB2_1:
0xa: {  	[tilespmem:s2], [sflag:$0x1] =	stream.linear.gather [hbm4b:s3+s2], $0x4000, $0x38;
	[tilespmem:$0x8000] =	vst v63  }
0xb: {  	_ =	swait.ge [sflag:s6], $0x4000  }
0xc: {  	s9 =	sand.u32 $0x3800, s2;
	s10 =	sand.u32 $0x380, s2;
	[sflag:s6] =	ssyncset.done $0x0  }
0xd: {  	s9 =	sor.u32 s10, s9;
	[sflag:s6] =	ssyncadd.s32 $0xFFFFC000  }
0xe: {  	v9 =	vld [tilespmem:s9+$0x0]  }
0xf: {  	v37 =	vld [tilespmem:s9+$0x10]  }
0x10: {  	v35 =	vld [tilespmem:s9+$0x20]  }
0x11: {  	v32 =	vld [tilespmem:s9+$0x40]  }
0x12: {  	v25 =	vld [tilespmem:s9+$0x400]  }
0x13: {  	v36 =	vld [tilespmem:s9+$0x30];
	(xrf1) =	vsort.dscd.msk.f32 $0xffff, v9, v9  }
0x14: {  	(xrf1) =	vsort.dscd.msk.f32 $0xffff, v37, v37  }
0x15: {  	v34 =	vld [tilespmem:s9+$0x50];
	(xrf1) =	vsort.dscd.msk.f32 $0xffff, v35, v35  }
0x16: {  	(xrf1) =	vsort.dscd.msk.f32 $0xffff, v32, v32  }
0x17: {  	v6 =	vld [tilespmem:s9+$0x60];
	(xrf1) =	vsort.dscd.msk.f32 $0xffff, v25, v25  }
0x18: {  	v3 =	vld [tilespmem:s9+$0x410];
	(xrf1) =	vsort.dscd.msk.f32 $0xffff, v36, v36  }
0x19: {  	v7 =	vld [tilespmem:s9+$0x70]  }
0x1a: {  	v4 =	vld [tilespmem:s9+$0x420];
	(xrf1) =	vsort.dscd.msk.f32 $0xffff, v34, v34  }
0x1b: {  	v5 =	vld [tilespmem:s9+$0x430]  }
0x1c: {  	(xrf1) =	vsort.dscd.msk.f32 $0xffff, v6, v6  }
0x1d: {  	(xrf1) =	vsort.dscd.msk.f32 $0xffff, v3, v3  }
0x1e: {  	v14 =	vld [tilespmem:s9+$0x470];
	(xrf1) =	vsort.dscd.msk.f32 $0xffff, v7, v7  }
0x1f: {  	v1 =	vld [tilespmem:s9+$0x440];
	(xrf1) =	vsort.dscd.msk.f32 $0xffff, v4, v4  }
0x20: {  	v2 =	vld [tilespmem:s9+$0x460];
	(xrf1) =	vsort.dscd.msk.f32 $0xffff, v5, v5  }
0x21: {  	v15 =	vld [tilespmem:s9+$0x450];
	v8, _, _ =	vpop (xrf1)  }
0x22: {  	v10, _, _ =	vpop (xrf1)  }
0x23: {  	(xrf1) =	vsort.dscd.msk.f32 $0xffff, v14, v14;
	v11, _, _ =	vpop (xrf1)  }
0x24: {  	(xrf1) =	vsort.dscd.msk.f32 $0xffff, v1, v1;
	v12, _, _ =	vpop (xrf1)  }
0x25: {  	(xrf1) =	vsort.dscd.msk.f32 $0xffff, v2, v2;
	v10 =	vperm.xlane v10, v0;
	v16, _, _ =	vpop (xrf1)  }
0x26: {  	(xrf1) =	vsort.dscd.msk.f32 $0xffff, v15, v15;
	v13, _, _ =	vpop (xrf1)  }
0x27: {  	v18 =	vmax.f32 v8, v10;
	v13 =	vperm.xlane v13, v0  }
0x28: {  	v8 =	vmin.f32 v8, v10;
	(xrf1) =	vsort.dscd.msk.f32 $0xffff, v18, v18;
	v17, _, _ =	vpop (xrf1)  }
0x29: {  	(xrf1) =	vsort.dscd.msk.f32 $0xffff, v8, v8;
	v8 =	vperm.xlane v17, v0;
	v18 =	vmax.f32 v11, v13  }
0x2a: {  	v10, _, _ =	vpop (xrf1);
	v11 =	vmin.f32 v11, v13;
	(xrf1) =	vsort.dscd.msk.f32 $0xffff, v18, v18  }
0x2b: {  	v17, _, _ =	vpop (xrf1);
	(xrf1) =	vsort.dscd.msk.f32 $0xffff, v11, v11;
	v11 =	vmax.f32 v12, v8  }
0x2c: {  	v13, _, _ =	vpop (xrf1)  }
0x2d: {  	v13 =	vperm.xlane v13, v0;
	v18, _, _ =	vpop (xrf1)  }
0x2e: {  	v8 =	vmin.f32 v12, v8;
	(xrf1) =	vsort.dscd.msk.f32 $0xffff, v11, v11;
	v11, _, _ =	vpop (xrf1)  }
0x2f: {  	v12 =	vmax.f32 v10, v13;
	v11 =	vperm.xlane v11, v0  }
0x30: {  	v10 =	vmin.f32 v10, v13  }
0x31: {  	(xrf1) =	vsort.dscd.msk.f32 $0xffff, v8, v8;
	v8, _, _ =	vpop (xrf1);
	v13 =	vmin.f32 v18, v11  }
0x32: {  	(xrf1) =	vsort.dscd.msk.f32 $0xffff, v12, v12;
	v8 =	vperm.xlane v8, v0;
	v12, _, _ =	vpop (xrf1)  }
0x33: {  	(xrf1) =	vsort.dscd.msk.f32 $0xffff, v10, v10;
	v10, _, _ =	vpop (xrf1)  }
0x34: {  	(xrf1) =	vsort.dscd.msk.f32 $0xffff, v13, v13;
	v19 =	vmax.f32 v10, v8;
	v13, _, _ =	vpop (xrf1)  }
0x35: {  	v8 =	vmin.f32 v10, v8;
	(xrf1) =	vsort.dscd.msk.f32 $0xffff, v19, v19;
	v13 =	vperm.xlane v13, v0  }
0x36: {  	v10 =	vmax.f32 v18, v11;
	(xrf1) =	vsort.dscd.msk.f32 $0xffff, v8, v8  }
0x37: {  	s30 =	simm.s32 $0x100;
	s11 =	simm.s32 $0x80;
	v8 =	vperm.xlane v17, v0;
	(xrf1) =	vsort.dscd.msk.f32 $0xffff, v10, v10;
	v11 =	vmax.f32 v12, v13  }
0x38: {  	s10 =	sand.u32 $0x3800, s30;
	s11 =	sand.u32 $0x380, s11;
	v12 =	vmin.f32 v12, v13;
	(xrf1) =	vsort.dscd.msk.f32 $0xffff, v11, v11  }
0x39: {  	s10 =	sor.u32 s11, s10;
	v11 =	vmax.f32 v16, v8;
	(xrf1) =	vsort.dscd.msk.f32 $0xffff, v12, v12  }
0x3a: {  	v38 =	vld [tilespmem:s10+$0x0];
	v17, _, _ =	vpop (xrf1);
	v8 =	vmin.f32 v16, v8;
	(xrf1) =	vsort.dscd.msk.f32 $0xffff, v11, v11  }
0x3b: {  	v10 =	vld [tilespmem:s10+$0x10];
	v18, _, _ =	vpop (xrf1);
	(xrf1) =	vsort.dscd.msk.f32 $0xffff, v8, v8  }
0x3c: {  	v13 =	vld [tilespmem:s10+$0x20];
	v19, _, _ =	vpop (xrf1)  }
0x3d: {  	v20, _, _ =	vpop (xrf1);
	v11 =	vld [tilespmem:s10+$0x40]  }
0x3e: {  	v21, _, _ =	vpop (xrf1);
	v8 =	vld [tilespmem:s10+$0x400]  }
0x3f: {  	v16 =	vld [tilespmem:s10+$0x30];
	v22, _, _ =	vpop (xrf1);
	(xrf1) =	vsort.dscd.msk.f32 $0xffff, v38, v38  }
0x40: {  	v19 =	vperm.xlane v19, v0;
	(xrf1) =	vsort.dscd.msk.f32 $0xffff, v10, v10;
	v23, _, _ =	vpop (xrf1)  }
0x41: {  	v12 =	vld [tilespmem:s10+$0x50];
	v20 =	vperm.xlane v20, v0;
	(xrf1) =	vsort.dscd.msk.f32 $0xffff, v13, v13;
	v24, _, _ =	vpop (xrf1)  }
0x42: {  	v19 =	vmax.f32 v18, v19;
	v23 =	vperm.xlane v23, v0;
	(xrf1) =	vsort.dscd.msk.f32 $0xffff, v11, v11;
	v26, _, _ =	vpop (xrf1)  }
0x43: {  	v20 =	vmax.f32 v17, v20;
	v24 =	vperm.xlane v24, v0;
	(xrf1) =	vsort.dscd.msk.f32 $0xffff, v8, v8;
	v27, _, _ =	vpop (xrf1)  }
0x44: {  	v22 =	vmax.f32 v22, v23;
	(xrf1) =	vsort.dscd.msk.f32 $0xffff, v16, v16;
	v17 =	vperm.xlane v26, v0;
	v18, _, _ =	vpop (xrf1)  }
0x45: {  	v26 =	vmax.f32 v20, v19;
	v21 =	vmax.f32 v21, v24;
	v18 =	vperm.xlane v18, v0;
	v28, _, _ =	vpop (xrf1)  }
0x46: {  	(xrf1) =	vsort.dscd.msk.f32 $0xffff, v12, v12;
	v24 =	vmax.f32 v21, v22;
	v27 =	vperm.xlane v27, v0;
	v23, _, _ =	vpop (xrf1)  }
0x47: {  	v21 =	vmin.f32 v21, v22;
	(xrf1) =	vsort.dscd.msk.f32 $0xffff, v26, v26;
	v18 =	vmax.f32 v23, v18;
	v23, _, _ =	vpop (xrf1)  }
0x48: {  	v26 =	vperm.xlane v28, v0;
	v22 =	vmax.f32 v23, v27;
	v23, _, _ =	vpop (xrf1);
	(xrf1) =	vsort.dscd.msk.f32 $0xffff, v24, v24  }
0x49: {  	v23 =	vmax.f32 v23, v17;
	v17 =	vmax.f32 v18, v22;
	v24, _, _ =	vpop (xrf1);
	(xrf1) =	vsort.dscd.msk.f32 $0xffff, v21, v21  }
0x4a: {  	v22 =	vmin.f32 v18, v22;
	v21 =	vmax.f32 v24, v26;
	(xrf1) =	vsort.dscd.msk.f32 $0xffff, v17, v17  }
0x4b: {  	v18 =	vld [tilespmem:s10+$0x60];
	v24 =	vmax.f32 v23, v21;
	(xrf1) =	vsort.dscd.msk.f32 $0xffff, v22, v22  }
0x4c: {  	v17 =	vld [tilespmem:s10+$0x410];
	v21 =	vmin.f32 v23, v21;
	(xrf1) =	vsort.dscd.msk.f32 $0xffff, v24, v24  }
0x4d: {  	v23 =	vld [tilespmem:s10+$0x70];
	(xrf1) =	vsort.dscd.msk.f32 $0xffff, v21, v21  }
0x4e: {  	v20 =	vmin.f32 v20, v19;
	v19 =	vld [tilespmem:s10+$0x420];
	v27, _, _ =	vpop (xrf1)  }
0x4f: {  	v28, _, _ =	vpop (xrf1);
	v21 =	vld [tilespmem:s10+$0x430];
	(xrf1) =	vsort.dscd.msk.f32 $0xffff, v20, v20  }
0x50: {  	v26 =	vld [tilespmem:s10+$0x470];
	v29, _, _ =	vpop (xrf1);
	(xrf1) =	vsort.dscd.msk.f32 $0xffff, v18, v18  }
0x51: {  	v22 =	vld [tilespmem:s10+$0x440];
	v30, _, _ =	vpop (xrf1);
	(xrf1) =	vsort.dscd.msk.f32 $0xffff, v17, v17  }
0x52: {  	v33, _, _ =	vpop (xrf1);
	v20 =	vld [tilespmem:s10+$0x460];
	(xrf1) =	vsort.dscd.msk.f32 $0xffff, v23, v23  }
0x53: {  	v24 =	vld [tilespmem:s10+$0x450];
	v31, _, _ =	vpop (xrf1);
	(xrf1) =	vsort.dscd.msk.f32 $0xffff, v19, v19  }
0x54: {  	v39, _, _ =	vpop (xrf1);
	(xrf1) =	vsort.dscd.msk.f32 $0xffff, v21, v21  }
0x55: {  	v40, _, _ =	vpop (xrf1);
	(xrf1) =	vsort.dscd.msk.f32 $0xffff, v26, v26  }
0x56: {  	v28 =	vperm.xlane v28, v0;
	(xrf1) =	vsort.dscd.msk.f32 $0xffff, v22, v22;
	v41, _, _ =	vpop (xrf1)  }
0x57: {  	v31 =	vperm.xlane v31, v0;
	(xrf1) =	vsort.dscd.msk.f32 $0xffff, v20, v20;
	v42, _, _ =	vpop (xrf1)  }
0x58: {  	v43 =	vmax.f32 v27, v28;
	(xrf1) =	vsort.dscd.msk.f32 $0xffff, v24, v24;
	v44, _, _ =	vpop (xrf1)  }
0x59: {  	v27 =	vmin.f32 v27, v28;
	v28 =	vmax.f32 v29, v31;
	(xrf1) =	vsort.dscd.msk.f32 $0xffff, v43, v43;
	v62, _, _ =	vpop (xrf1)  }
0x5a: {  	(xrf1) =	vsort.dscd.msk.f32 $0xffff, v27, v27;
	v63 =	vperm.xlane v44, v0;
	v27 =	vperm.xlane v62, v0;
	v48, _, _ =	vpop (xrf1)  }
0x5b: {  	v29 =	vmin.f32 v29, v31;
	v41 =	vperm.xlane v41, v0;
	(xrf1) =	vsort.dscd.msk.f32 $0xffff, v28, v28;
	v31, _, _ =	vpop (xrf1)  }
0x5c: {  	v28 =	vperm.xlane v42, v0;
	v27 =	vmax.f32 v48, v27;
	v31 =	vmax.f32 v31, v63  }
0x5d: {  	(xrf1) =	vsort.dscd.msk.f32 $0xffff, v29, v29;
	v49, _, _ =	vpop (xrf1);
	v29 =	vmax.f32 v27, v31;
	v27 =	vmin.f32 v27, v31  }
0x5e: {  	v50, _, _ =	vpop (xrf1);
	(xrf1) =	vsort.dscd.msk.f32 $0xffff, v29, v29;
	v29 =	vperm.xlane v39, v0  }
0x5f: {  	v28 =	vmax.f32 v40, v28;
	v41 =	vmax.f32 v49, v41;
	v51, _, _ =	vpop (xrf1)  }
0x60: {  	v31 =	vmax.f32 v28, v41;
	(xrf1) =	vsort.dscd.msk.f32 $0xffff, v27, v27;
	v27, _, _ =	vpop (xrf1)  }
0x61: {  	v28 =	vmin.f32 v28, v41;
	(xrf1) =	vsort.dscd.msk.f32 $0xffff, v31, v31;
	v27 =	vperm.xlane v27, v0;
	v52, _, _ =	vpop (xrf1)  }
0x62: {  	v31 =	vmax.f32 v30, v29;
	(xrf1) =	vsort.dscd.msk.f32 $0xffff, v28, v28;
	v28 =	vmin.f32 v30, v29;
	v29, _, _ =	vpop (xrf1)  }
0x63: {  	v30 =	vmax.f32 v50, v27;
	v29 =	vperm.xlane v29, v0  }
0x64: {  	(xrf1) =	vsort.dscd.msk.f32 $0xffff, v31, v31;
	v27 =	vmin.f32 v50, v27  }
0x65: {  	(xrf1) =	vsort.dscd.msk.f32 $0xffff, v28, v28;
	v28, _, _ =	vpop (xrf1);
	v31 =	vmin.f32 v52, v29  }
0x66: {  	(xrf1) =	vsort.dscd.msk.f32 $0xffff, v30, v30;
	v28 =	vperm.xlane v28, v0;
	v30, _, _ =	vpop (xrf1)  }
0x67: {  	(xrf1) =	vsort.dscd.msk.f32 $0xffff, v27, v27;
	v27, _, _ =	vpop (xrf1)  }
0x68: {  	s31 =	simm.s32 $0x200;
	s12 =	simm.s32 $0x100;
	(xrf1) =	vsort.dscd.msk.f32 $0xffff, v31, v31;
	v53 =	vmax.f32 v27, v28;
	v31, _, _ =	vpop (xrf1)  }
0x69: {  	s13 =	sand.u32 $0x380, s12;
	s11 =	sand.u32 $0x3800, s31;
	v27 =	vmin.f32 v27, v28;
	v54 =	vperm.xlane v31, v0;
	(xrf1) =	vsort.dscd.msk.f32 $0xffff, v53, v53  }
0x6a: {  	s11 =	sor.u32 s13, s11;
	v28 =	vmax.f32 v52, v29;
	v40, _, _ =	vpop (xrf1);
	(xrf1) =	vsort.dscd.msk.f32 $0xffff, v27, v27  }
0x6b: {  	v31 =	vld [tilespmem:s11+$0x0];
	v55, _, _ =	vpop (xrf1);
	v27 =	vperm.xlane v51, v0;
	v56 =	vmax.f32 v30, v54;
	(xrf1) =	vsort.dscd.msk.f32 $0xffff, v28, v28  }
0x6c: {  	v29 =	vld [tilespmem:s11+$0x10];
	v57, _, _ =	vpop (xrf1);
	v28 =	vmin.f32 v30, v54;
	(xrf1) =	vsort.dscd.msk.f32 $0xffff, v56, v56  }
0x6d: {  	v30 =	vld [tilespmem:s11+$0x20];
	v58 =	vmax.f32 v33, v27;
	v59, _, _ =	vpop (xrf1);
	(xrf1) =	vsort.dscd.msk.f32 $0xffff, v28, v28  }
0x6e: {  	v27 =	vmin.f32 v33, v27;
	v28 =	vld [tilespmem:s11+$0x40];
	v60, _, _ =	vpop (xrf1);
	(xrf1) =	vsort.dscd.msk.f32 $0xffff, v58, v58  }
0x6f: {  	v61, _, _ =	vpop (xrf1);
	(xrf1) =	vsort.dscd.msk.f32 $0xffff, v27, v27  }
0x70: {  	v45 =	vperm.xlane v60, v0;
	v62 =	vperm.xlane v61, v0;
	v46, _, _ =	vpop (xrf1);
	(xrf1) =	vsort.dscd.msk.f32 $0xffff, v31, v31  }
0x71: {  	v27 =	vld [tilespmem:s11+$0x400];
	v47, _, _ =	vpop (xrf1);
	(xrf1) =	vsort.dscd.msk.f32 $0xffff, v29, v29  }
0x72: {  	v33 =	vld [tilespmem:s11+$0x30];
	v48, _, _ =	vpop (xrf1);
	v44 =	vmax.f32 v46, v62;
	v45 =	vmax.f32 v47, v45;
	(xrf1) =	vsort.dscd.msk.f32 $0xffff, v30, v30  }
0x73: {  	v39 =	vld [tilespmem:s11+$0x50];
	v63, _, _ =	vpop (xrf1);
	v44 =	vmin.f32 v44, v45;
	(xrf1) =	vsort.dscd.msk.f32 $0xffff, v28, v28  }
0x74: {  	v43 =	vperm.xlane v57, v0;
	v42 =	vperm.xlane v59, v0;
	v52, _, _ =	vpop (xrf1);
	(xrf1) =	vsort.dscd.msk.f32 $0xffff, v44, v44  }
0x75: {  	v53, _, _ =	vpop (xrf1)  }
0x76: {  	v43 =	vmax.f32 v55, v43;
	v40 =	vmax.f32 v40, v42;
	(xrf1) =	vsort.dscd.msk.f32 $0xffff, v27, v27;
	v54, _, _ =	vpop (xrf1)  }
0x77: {  	v45 =	vperm.xlane v52, v0;
	v44 =	vperm.xlane v53, v0;
	(xrf1) =	vsort.dscd.msk.f32 $0xffff, v33, v33;
	v49, _, _ =	vpop (xrf1)  }
0x78: {  	v60 =	vmax.f32 v40, v43;
	(xrf1) =	vsort.dscd.msk.f32 $0xffff, v39, v39;
	v59, _, _ =	vpop (xrf1)  }
0x79: {  	v45 =	vmax.f32 v63, v45;
	v44 =	vmax.f32 v48, v44;
	v49 =	vperm.xlane v49, v0;
	v50, _, _ =	vpop (xrf1)  }
0x7a: {  	(xrf1) =	vsort.dscd.msk.f32 $0xffff, v60, v60;
	v62 =	vmax.f32 v44, v45;
	v42 =	vperm.xlane v59, v0;
	v61, _, _ =	vpop (xrf1)  }
0x7b: {  	v55 =	vperm.xlane v54, v0;
	v44 =	vmin.f32 v44, v45;
	(xrf1) =	vsort.dscd.msk.f32 $0xffff, v62, v62;
	v56, _, _ =	vpop (xrf1)  }
0x7c: {  	v63 =	vperm.xlane v50, v0;
	v42 =	vmax.f32 v61, v42;
	v57 =	vmax.f32 v56, v49;
	v58, _, _ =	vpop (xrf1)  }
0x7d: {  	(xrf1) =	vsort.dscd.msk.f32 $0xffff, v44, v44;
	v46 =	vmax.f32 v58, v55;
	v59 =	vmax.f32 v42, v57;
	v60, _, _ =	vpop (xrf1)  }
0x7e: {  	v42 =	vmin.f32 v42, v57;
	v54, _, _ =	vpop (xrf1);
	v61 =	vmax.f32 v60, v63;
	(xrf1) =	vsort.dscd.msk.f32 $0xffff, v59, v59  }
0x7f: {  	v41 =	vld [tilespmem:s11+$0x60];
	v57, _, _ =	vpop (xrf1);
	v62 =	vmax.f32 v46, v61;
	(xrf1) =	vsort.dscd.msk.f32 $0xffff, v42, v42  }
0x80: {  	v42 =	vld [tilespmem:s11+$0x410];
	v44 =	vmin.f32 v46, v61;
	v55, _, _ =	vpop (xrf1);
	(xrf1) =	vsort.dscd.msk.f32 $0xffff, v62, v62  }
0x81: {  	v40 =	vmin.f32 v40, v43;
	v45 =	vld [tilespmem:s11+$0x70];
	v51, _, _ =	vpop (xrf1);
	(xrf1) =	vsort.dscd.msk.f32 $0xffff, v44, v44  }
0x82: {  	v43 =	vld [tilespmem:s11+$0x420];
	(xrf1) =	vsort.dscd.msk.f32 $0xffff, v40, v40;
	v63, _, _ =	vpop (xrf1)  }
0x83: {  	v47 =	vld [tilespmem:s11+$0x440];
	(xrf0) =	vmin.scan.msk.f32 $0xffff, v63  }
0x84: {  	v44 =	vld [tilespmem:s11+$0x430];
	v49, _, _ =	vpop (xrf1);
	(xrf1) =	vsort.dscd.msk.f32 $0xffff, v41, v41  }
0x85: {  	v46 =	vld [tilespmem:s11+$0x470];
	v58, _, _ =	vpop (xrf1);
	(xrf1) =	vsort.dscd.msk.f32 $0xffff, v42, v42  }
0x86: {  	s13 =	simm.s32 $0x300;
	v40 =	vld [tilespmem:s11+$0x460];
	v56, _, _ =	vpop (xrf1);
	(xrf1) =	vsort.dscd.msk.f32 $0xffff, v45, v45  }
.LBB2_2:
0x87: {  	(xrf1) =	vsort.dscd.msk.f32 $0xffff, v43, v43;
	v48 =	vmovc v39;
	v52 =	vmov v6;
	v6 =	vmov v18;
	v18 =	vmov v41  }
0x88: {  	p0 =	sne.s32 s13, $0x3F00;
	v50 =	vld [tilespmem:s11+$0x450];
	v39 =	vmovc v3;
	v3 =	vmovc v17;
	v17 =	vmov v42;
	v53 =	vmov v7;
	v7 =	vmov v23  }
0x89: {  	v23 =	vmov v45;
	v41 =	vmov v4;
	v4 =	vmov v19;
	(xrf1) =	vsort.dscd.msk.f32 $0xffff, v44, v44;
	v59, _, _ =	vpop (xrf1)  }
0x8a: {  	v19 =	vmov v43;
	v43 =	vmov v5;
	v5 =	vmov v21;
	(xrf1) =	vsort.dscd.msk.f32 $0xffff, v46, v46;
	v42, _, _ =	vpop (xrf0)  }
0x8b: {  	v45 =	vperm.xlane v57, v0;
	v21 =	vmov v44;
	(xrf1) =	vsort.dscd.msk.f32 $0xffff, v47, v47;
	v57, _, _ =	vpop (xrf1);
	v42 =	vbroadcast v42, $0xF  }
0x8c: {  	v58 =	vperm.xlane v58, v0;
	v44 =	vmov v1;
	v1 =	vmov v22;
	(xrf1) =	vsort.dscd.msk.f32 $0xffff, v40, v40;
	v60, _, _ =	vpop (xrf1)  }
0x8d: {  	v63 =	vmax.f32 v54, v45;
	v22 =	vmov v47;
	(xrf1) =	vsort.dscd.msk.f32 $0xffff, v50, v50;
	v62, _, _ =	vpop (xrf1);
	vm0 =	vge.f32 v14, v42  }
0x8e: {  	v45 =	vmin.f32 v54, v45;
	v47 =	vmax.f32 v55, v58;
	(xrf1) =	vsort.dscd.msk.f32 $0xffff, v63, v63;
	v54, _, _ =	vpop (xrf1);
	v63 =	vnsel vm0, $0x0, v14  }
0x8f: {  	(xrf1) =	vsort.dscd.msk.f32 $0xffff, v45, v45;
	v45 =	vperm.xlane v54, v0;
	v54 =	vperm.xlane v62, v0;
	v61, _, _ =	vpop (xrf1);
	[tilespmem:s9+$0x4470] =	vst v63  }
0x90: {  	v55 =	vmin.f32 v55, v58;
	v14 =	vmov v26;
	(xrf1) =	vsort.dscd.msk.f32 $0xffff, v47, v47;
	v47 =	vperm.xlane v60, v0;
	v58, _, _ =	vpop (xrf1)  }
0x91: {  	v57 =	vperm.xlane v57, v0;
	v60 =	vmax.f32 v61, v45;
	v54 =	vmax.f32 v58, v54;
	v58, _, _ =	vpop (xrf1)  }
0x92: {  	v26 =	vmovc v46;
	(xrf1) =	vsort.dscd.msk.f32 $0xffff, v55, v55;
	v47 =	vmax.f32 v59, v47;
	v55 =	vmax.f32 v60, v54  }
0x93: {  	v57 =	vmax.f32 v58, v57;
	v59 =	vmin.f32 v60, v54;
	v46, _, _ =	vpop (xrf1);
	(xrf1) =	vsort.dscd.msk.f32 $0xffff, v55, v55;
	v45 =	vmov v2  }
0x94: {  	v55 =	vperm.xlane v56, v0;
	v58 =	vmax.f32 v47, v57;
	v2 =	vmov v20;
	v56, _, _ =	vpop (xrf1);
	(xrf1) =	vsort.dscd.msk.f32 $0xffff, v59, v59  }
0x95: {  	vm0 =	vge.f32 v9, v42;
	v47 =	vmin.f32 v47, v57;
	v20 =	vmov v40;
	v54, _, _ =	vpop (xrf1);
	(xrf1) =	vsort.dscd.msk.f32 $0xffff, v58, v58  }
0x96: {  	v9 =	vnsel vm0, $0x0, v9;
	v58 =	vmax.f32 v51, v55;
	v54 =	vperm.xlane v54, v0;
	v57, _, _ =	vpop (xrf1);
	(xrf1) =	vsort.dscd.msk.f32 $0xffff, v47, v47  }
0x97: {  	vm0 =	vge.f32 v37, v42;
	v59 =	vmin.f32 v51, v55;
	(xrf1) =	vsort.dscd.msk.f32 $0xffff, v58, v58;
	v40, _, _ =	vpop (xrf1);
	[tilespmem:s9+$0x4000] =	vst v9  }
0x98: {  	v37 =	vnsel vm0, $0x0, v37;
	v55 =	vmax.f32 v46, v54;
	v40 =	vperm.xlane v40, v0;
	(xrf1) =	vsort.dscd.msk.f32 $0xffff, v59, v59;
	v47, _, _ =	vpop (xrf1)  }
0x99: {  	v54 =	vmin.f32 v46, v54;
	v58 =	vperm.xlane v47, v0;
	(xrf1) =	vsort.dscd.msk.f32 $0xffff, v55, v55;
	v51, _, _ =	vpop (xrf1);
	[tilespmem:s9+$0x4010] =	vst v37  }
0x9a: {  	vm0 =	vge.f32 v35, v42;
	v9 =	vmov v38;
	v55 =	vmin.f32 v57, v40;
	(xrf1) =	vsort.dscd.msk.f32 $0xffff, v54, v54;
	v46, _, _ =	vpop (xrf1)  }
0x9b: {  	s12 =	sadd.s32 $0x80, s12;
	v35 =	vnsel vm0, $0x0, v35;
	vm0 =	vge.f32 v36, v42;
	v38 =	vmax.f32 v46, v58;
	(xrf1) =	vsort.dscd.msk.f32 $0xffff, v55, v55;
	v37, _, _ =	vpop (xrf1)  }
0x9c: {  	s14 =	sand.u32 $0x3800, s13;
	s15 =	sand.u32 $0x380, s12;
	v46 =	vmin.f32 v46, v58;
	v37 =	vperm.xlane v37, v0;
	v47, _, _ =	vpop (xrf1);
	(xrf1) =	vsort.dscd.msk.f32 $0xffff, v38, v38;
	v38 =	vnsel vm0, $0x0, v36  }
0x9d: {  	s14 =	sor.u32 s15, s14;
	v36 =	vmax.f32 v57, v40;
	vm0 =	vge.f32 v32, v42;
	v54, _, _ =	vpop (xrf1);
	(xrf1) =	vsort.dscd.msk.f32 $0xffff, v46, v46;
	[tilespmem:s9+$0x4020] =	vst v35  }
0x9e: {  	v40 =	vperm.xlane v56, v0;
	v56 =	vnsel vm0, $0x0, v32;
	v35 =	vld [tilespmem:s14+$0x0];
	v57 =	vmax.f32 v51, v37;
	v55, _, _ =	vpop (xrf1);
	(xrf1) =	vsort.dscd.msk.f32 $0xffff, v36, v36  }
0x9f: {  	vm0 =	vge.f32 v34, v42;
	v37 =	vmin.f32 v51, v37;
	v36 =	vld [tilespmem:s14+$0x10];
	(xrf1) =	vsort.dscd.msk.f32 $0xffff, v57, v57;
	[tilespmem:s9+$0x4030] =	vst v38  }
0xa0: {  	v57 =	vmax.f32 v49, v40;
	v32 =	vld [tilespmem:s14+$0x20];
	v46, _, _ =	vpop (xrf1);
	(xrf1) =	vsort.dscd.msk.f32 $0xffff, v37, v37;
	v37 =	vnsel vm0, $0x0, v34;
	vm0 =	vge.f32 v52, v42  }
0xa1: {  	v40 =	vmin.f32 v49, v40;
	v34 =	vld [tilespmem:s14+$0x40];
	(xrf1) =	vsort.dscd.msk.f32 $0xffff, v57, v57;
	v38, _, _ =	vpop (xrf1);
	v49 =	vnsel vm0, $0x0, v52;
	vm0 =	vge.f32 v53, v42  }
0xa2: {  	vm1 =	vge.f32 v39, v42;
	(xrf1) =	vsort.dscd.msk.f32 $0xffff, v40, v40;
	v51, _, _ =	vpop (xrf1);
	v53 =	vnsel vm0, $0x0, v53;
	vm0 =	vge.f32 v25, v42  }
0xa3: {  	v38 =	vperm.xlane v38, v0;
	v40 =	vld [tilespmem:s14+$0x400];
	(xrf1) =	vsort.dscd.msk.f32 $0xffff, v35, v35;
	v51 =	vperm.xlane v51, v0;
	v57, _, _ =	vpop (xrf1);
	v25 =	vnsel vm0, $0x0, v25  }
0xa4: {  	v59 =	vnsel vm1, $0x0, v39;
	vm1 =	vge.f32 v43, v42;
	vm0 =	vge.f32 v41, v42;
	v52 =	vld [tilespmem:s14+$0x30];
	(xrf1) =	vsort.dscd.msk.f32 $0xffff, v36, v36;
	v58, _, _ =	vpop (xrf1)  }
0xa5: {  	v41 =	vnsel vm0, $0x0, v41;
	v39 =	vld [tilespmem:s14+$0x50];
	(xrf1) =	vsort.dscd.msk.f32 $0xffff, v32, v32;
	v60, _, _ =	vpop (xrf1);
	v61 =	vmax.f32 v57, v51;
	v38 =	vmax.f32 v58, v38  }
0xa6: {  	v43 =	vnsel vm1, $0x0, v43;
	vm0 =	vge.f32 v44, v42;
	(xrf1) =	vsort.dscd.msk.f32 $0xffff, v34, v34;
	v57, _, _ =	vpop (xrf1);
	v38 =	vmin.f32 v61, v38  }
0xa7: {  	vm1 =	vge.f32 v45, v42;
	v51, _, _ =	vpop (xrf1);
	(xrf1) =	vsort.dscd.msk.f32 $0xffff, v38, v38;
	v38 =	vnsel vm0, $0x0, v44;
	vm0 =	vge.f32 v15, v42  }
0xa8: {  	v44 =	vnsel vm1, $0x0, v45;
	(xrf1) =	vsort.dscd.msk.f32 $0xffff, v40, v40;
	v42, _, _ =	vpop (xrf1);
	[tilespmem:s9+$0x4040] =	vst v56;
	v15 =	vnsel vm0, $0x0, v15  }
0xa9: {  	v45 =	vperm.xlane v46, v0;
	v46 =	vperm.xlane v55, v0;
	(xrf1) =	vsort.dscd.msk.f32 $0xffff, v52, v52;
	v55, _, _ =	vpop (xrf1);
	[tilespmem:s9+$0x4050] =	vst v37  }
0xaa: {  	v56 =	vperm.xlane v51, v0;
	v37 =	vperm.xlane v42, v0;
	(xrf1) =	vsort.dscd.msk.f32 $0xffff, v39, v39;
	v51, _, _ =	vpop (xrf1);
	[tilespmem:s9+$0x4060] =	vst v49  }
0xab: {  	v47 =	vmax.f32 v47, v45;
	v46 =	vmax.f32 v54, v46;
	v45 =	vperm.xlane v55, v0;
	v49, _, _ =	vpop (xrf1);
	[tilespmem:s9+$0x4070] =	vst v53  }
0xac: {  	v53 =	vmax.f32 v47, v46;
	v51 =	vperm.xlane v51, v0;
	v58 =	vperm.xlane v49, v0;
	v54, _, _ =	vpop (xrf1);
	[tilespmem:s9+$0x4400] =	vst v25  }
0xad: {  	v25 =	vmax.f32 v60, v37;
	v37 =	vmax.f32 v57, v56;
	v42, _, _ =	vpop (xrf1);
	(xrf1) =	vsort.dscd.msk.f32 $0xffff, v53, v53;
	[tilespmem:s9+$0x4410] =	vst v59  }
0xae: {  	v53 =	vmax.f32 v25, v37;
	v55 =	vperm.xlane v54, v0;
	v42 =	vmax.f32 v42, v58;
	v49, _, _ =	vpop (xrf1);
	[tilespmem:s9+$0x4420] =	vst v41  }
0xaf: {  	v25 =	vmin.f32 v25, v37;
	v37 =	vmax.f32 v49, v51;
	v41, _, _ =	vpop (xrf1);
	(xrf1) =	vsort.dscd.msk.f32 $0xffff, v53, v53;
	[tilespmem:s9+$0x4430] =	vst v43  }
0xb0: {  	v43 =	vmax.f32 v41, v45;
	v41 =	vmax.f32 v42, v37;
	v45, _, _ =	vpop (xrf1);
	(xrf1) =	vsort.dscd.msk.f32 $0xffff, v25, v25;
	[tilespmem:s9+$0x4440] =	vst v38  }
0xb1: {  	v37 =	vmin.f32 v42, v37;
	v54, _, _ =	vpop (xrf1);
	v25 =	vmax.f32 v45, v55;
	(xrf1) =	vsort.dscd.msk.f32 $0xffff, v41, v41;
	[tilespmem:s9+$0x4450] =	vst v15  }
0xb2: {  	v15 =	vmov v24;
	v41 =	vld [tilespmem:s14+$0x60];
	v57, _, _ =	vpop (xrf1);
	v45 =	vmax.f32 v43, v25;
	(xrf1) =	vsort.dscd.msk.f32 $0xffff, v37, v37;
	[tilespmem:s9+$0x4460] =	vst v44;
	s9 =	smov.u32 s10;
	s10 =	smov.u32 s11;
	s11 =	smov.u32 s14  }
0xb3: {  	v38 =	vmov v31;
	v24 =	vmov v50;
	v49 =	vmin.f32 v43, v25;
	v42 =	vld [tilespmem:s11+$0x410];
	v55, _, _ =	vpop (xrf1);
	(xrf1) =	vsort.dscd.msk.f32 $0xffff, v45, v45  }
0xb4: {  	v31 =	vmov v35;
	v44 =	vmin.f32 v47, v46;
	v37 =	vmov v10;
	v45 =	vld [tilespmem:s11+$0x70];
	v51, _, _ =	vpop (xrf1);
	(xrf1) =	vsort.dscd.msk.f32 $0xffff, v49, v49  }
.Ltmp0:
0xb5: {  	v35 =	vmov v13;
	v10 =	vmov v29;
	v29 =	vmov v36;
	v43 =	vld [tilespmem:s11+$0x420];
	(xrf1) =	vsort.dscd.msk.f32 $0xffff, v44, v44;
	v25, _, _ =	vpop (xrf1);
	(pc) =	sbr.rel @p0 .LBB2_2-.Ltmp0, $4  }
0xb6: {  	v13 =	vmov v30;
	v30 =	vmov v32;
	v32 =	vmov v11;
	v44 =	vld [tilespmem:s11+$0x430];
	v49, _, _ =	vpop (xrf1);
	(xrf0) =	vmin.scan.msk.f32 $0xffff, v25  }
0xb7: {  	v11 =	vmov v28;
	v28 =	vmov v34;
	v25 =	vmov v8;
	v46 =	vld [tilespmem:s11+$0x470];
	v58, _, _ =	vpop (xrf1);
	(xrf1) =	vsort.dscd.msk.f32 $0xffff, v41, v41  }
0xb8: {  	v36 =	vmov v16;
	v8 =	vmov v27;
	v27 =	vmov v40;
	v47 =	vld [tilespmem:s11+$0x440];
	v56, _, _ =	vpop (xrf1);
	(xrf1) =	vsort.dscd.msk.f32 $0xffff, v42, v42  }
0xb9: {  	s13 =	sadd.s32 $0x100, s13;
	v34 =	vmovc v12;
	v12 =	vmov v48;
	v16 =	vmov v33;
	v33 =	vmov v52;
	v40 =	vld [tilespmem:s11+$0x460];
	(xrf1) =	vsort.dscd.msk.f32 $0xffff, v45, v45  }
0xba: {  	v48 =	vld [tilespmem:s11+$0x450];
	(xrf1) =	vsort.dscd.msk.f32 $0xffff, v43, v43  }
0xbb: {  	(xrf1) =	vsort.dscd.msk.f32 $0xffff, v44, v44  }
0xbc: {  	v50, _, _ =	vpop (xrf1);
	(xrf1) =	vsort.dscd.msk.f32 $0xffff, v46, v46  }
0xbd: {  	v52 =	vperm.xlane v57, v0;
	(xrf1) =	vsort.dscd.msk.f32 $0xffff, v47, v47;
	v53, _, _ =	vpop (xrf1)  }
0xbe: {  	v57 =	vperm.xlane v58, v0;
	(xrf1) =	vsort.dscd.msk.f32 $0xffff, v40, v40;
	v58, _, _ =	vpop (xrf1)  }
0xbf: {  	v59 =	vmax.f32 v54, v52;
	v52 =	vmin.f32 v54, v52;
	(xrf1) =	vsort.dscd.msk.f32 $0xffff, v48, v48;
	v60, _, _ =	vpop (xrf1)  }
0xc0: {  	v54 =	vmax.f32 v55, v57;
	v61 =	vperm.xlane v58, v0;
	(xrf1) =	vsort.dscd.msk.f32 $0xffff, v59, v59;
	v63, _, _ =	vpop (xrf1)  }
0xc1: {  	v59 =	vperm.xlane v60, v0;
	(xrf1) =	vsort.dscd.msk.f32 $0xffff, v52, v52;
	v52 =	vperm.xlane v63, v0;
	v60, _, _ =	vpop (xrf1)  }
0xc2: {  	v55 =	vmin.f32 v55, v57;
	v53 =	vperm.xlane v53, v0;
	v50 =	vmax.f32 v50, v61;
	v62, _, _ =	vpop (xrf1)  }
0xc3: {  	(xrf1) =	vsort.dscd.msk.f32 $0xffff, v54, v54;
	v52 =	vmax.f32 v60, v52;
	v57 =	vmax.f32 v62, v59  }
0xc4: {  	v63, _, _ =	vpop (xrf1);
	(xrf1) =	vsort.dscd.msk.f32 $0xffff, v55, v55;
	v60 =	vperm.xlane v56, v0;
	v59 =	vmax.f32 v52, v57  }
0xc5: {  	v53 =	vmax.f32 v63, v53;
	v52 =	vmin.f32 v52, v57;
	v55, _, _ =	vpop (xrf1);
	(xrf1) =	vsort.dscd.msk.f32 $0xffff, v59, v59  }
0xc6: {  	v61 =	vmax.f32 v50, v53;
	v56, _, _ =	vpop (xrf1);
	(xrf1) =	vsort.dscd.msk.f32 $0xffff, v52, v52  }
0xc7: {  	v50 =	vmin.f32 v50, v53;
	v62, _, _ =	vpop (xrf1);
	(xrf1) =	vsort.dscd.msk.f32 $0xffff, v61, v61  }
0xc8: {  	v63 =	vmax.f32 v51, v60;
	v52 =	vperm.xlane v62, v0;
	v57, _, _ =	vpop (xrf1);
	(xrf1) =	vsort.dscd.msk.f32 $0xffff, v50, v50  }
0xc9: {  	v59 =	vmin.f32 v51, v60;
	(xrf1) =	vsort.dscd.msk.f32 $0xffff, v63, v63;
	v60, _, _ =	vpop (xrf1)  }
0xca: {  	v61 =	vmax.f32 v55, v52;
	v51 =	vperm.xlane v60, v0;
	(xrf1) =	vsort.dscd.msk.f32 $0xffff, v59, v59;
	v62, _, _ =	vpop (xrf1)  }
0xcb: {  	v52 =	vmin.f32 v55, v52;
	v50 =	vperm.xlane v62, v0;
	(xrf1) =	vsort.dscd.msk.f32 $0xffff, v61, v61;
	v53, _, _ =	vpop (xrf1)  }
0xcc: {  	v63 =	vmin.f32 v57, v51;
	(xrf1) =	vsort.dscd.msk.f32 $0xffff, v52, v52;
	v58, _, _ =	vpop (xrf1)  }
0xcd: {  	v59 =	vmax.f32 v58, v50;
	(xrf1) =	vsort.dscd.msk.f32 $0xffff, v63, v63;
	v60, _, _ =	vpop (xrf1);
	v50 =	vmin.f32 v58, v50  }
0xce: {  	v51 =	vmax.f32 v57, v51;
	v54 =	vperm.xlane v60, v0;
	(xrf1) =	vsort.dscd.msk.f32 $0xffff, v59, v59  }
0xcf: {  	v61 =	vperm.xlane v56, v0;
	v52, _, _ =	vpop (xrf1);
	(xrf1) =	vsort.dscd.msk.f32 $0xffff, v50, v50  }
0xd0: {  	v50, _, _ =	vpop (xrf1);
	v62 =	vmax.f32 v53, v54;
	(xrf1) =	vsort.dscd.msk.f32 $0xffff, v51, v51  }
0xd1: {  	v53 =	vmin.f32 v53, v54;
	v51, _, _ =	vpop (xrf1);
	(xrf1) =	vsort.dscd.msk.f32 $0xffff, v62, v62  }
0xd2: {  	v63 =	vmax.f32 v49, v61;
	v56, _, _ =	vpop (xrf1);
	(xrf1) =	vsort.dscd.msk.f32 $0xffff, v53, v53  }
0xd3: {  	v60 =	vmin.f32 v49, v61;
	(xrf1) =	vsort.dscd.msk.f32 $0xffff, v63, v63;
	v61, _, _ =	vpop (xrf1)  }
0xd4: {  	(xrf1) =	vsort.dscd.msk.f32 $0xffff, v60, v60;
	v62, _, _ =	vpop (xrf1)  }
0xd5: {  	v63, _, _ =	vpop (xrf1)  }
0xd6: {  	v60, _, _ =	vpop (xrf1)  }
0xd7: {  	v57, _, _ =	vpop (xrf1)  }
0xd8: {  	v49 =	vperm.xlane v62, v0;
	v58, _, _ =	vpop (xrf1)  }
0xd9: {  	v51 =	vperm.xlane v51, v0;
	v53 =	vperm.xlane v61, v0;
	v61, _, _ =	vpop (xrf1)  }
0xda: {  	v49 =	vmax.f32 v63, v49;
	v63 =	vperm.xlane v56, v0;
	v62, _, _ =	vpop (xrf1)  }
0xdb: {  	v50 =	vmax.f32 v50, v51;
	v53 =	vmax.f32 v60, v53;
	v60, _, _ =	vpop (xrf1)  }
0xdc: {  	v49 =	vmin.f32 v49, v53;
	v52 =	vmax.f32 v52, v63;
	v54 =	vperm.xlane v61, v0;
	v61, _, _ =	vpop (xrf1)  }
0xdd: {  	(xrf1) =	vsort.dscd.msk.f32 $0xffff, v49, v49;
	v63 =	vmax.f32 v52, v50;
	v49 =	vperm.xlane v62, v0;
	v62, _, _ =	vpop (xrf1)  }
0xde: {  	(xrf1) =	vsort.dscd.msk.f32 $0xffff, v63, v63;
	v51 =	vperm.xlane v60, v0;
	v54 =	vmax.f32 v58, v54;
	v60, _, _ =	vpop (xrf1)  }
0xdf: {  	v56 =	vperm.xlane v61, v0;
	v49 =	vmax.f32 v57, v49;
	v53 =	vperm.xlane v62, v0;
	v61, _, _ =	vpop (xrf1)  }
0xe0: {  	v62 =	vmax.f32 v49, v54;
	v49 =	vmin.f32 v49, v54;
	v58 =	vperm.xlane v60, v0;
	v63, _, _ =	vpop (xrf1)  }
0xe1: {  	(xrf1) =	vsort.dscd.msk.f32 $0xffff, v62, v62;
	v53 =	vmax.f32 v61, v53;
	v60 =	vmax.f32 v63, v56;
	v61, _, _ =	vpop (xrf1)  }
0xe2: {  	(xrf1) =	vsort.dscd.msk.f32 $0xffff, v49, v49;
	v51 =	vmax.f32 v61, v51;
	v62 =	vmax.f32 v53, v60;
	v63, _, _ =	vpop (xrf1)  }
0xe3: {  	v53 =	vmin.f32 v53, v60;
	v57 =	vmax.f32 v63, v58;
	(xrf1) =	vsort.dscd.msk.f32 $0xffff, v62, v62  }
0xe4: {  	v58 =	vmax.f32 v51, v57;
	(xrf1) =	vsort.dscd.msk.f32 $0xffff, v53, v53  }
0xe5: {  	v49 =	vmin.f32 v51, v57;
	(xrf1) =	vsort.dscd.msk.f32 $0xffff, v58, v58  }
0xe6: {  	(xrf1) =	vsort.dscd.msk.f32 $0xffff, v49, v49  }
0xe7: {  	v59 =	vmin.f32 v52, v50  }
0xe8: {  	(xrf1) =	vsort.dscd.msk.f32 $0xffff, v59, v59;
	_ =	sdelay $0x4  }
0xe9: {  	v49, _, _ =	vpop (xrf1)  }
0xea: {  	v50, _, _ =	vpop (xrf1)  }
0xeb: {  	v51, _, _ =	vpop (xrf1)  }
0xec: {  	v60, _, _ =	vpop (xrf1)  }
0xed: {  	v61, _, _ =	vpop (xrf1)  }
0xee: {  	v62, _, _ =	vpop (xrf1)  }
0xef: {  	v53 =	vperm.xlane v61, v0;
	v54 =	vperm.xlane v62, v0;
	v63, _, _ =	vpop (xrf1)  }
0xf0: {  	v52 =	vperm.xlane v60, v0;
	v60, _, _ =	vpop (xrf1)  }
0xf1: {  	v51 =	vperm.xlane v51, v0;
	v54 =	vmax.f32 v63, v54;
	v53 =	vmax.f32 v60, v53  }
0xf2: {  	v50 =	vmax.f32 v50, v52;
	v61, _, _ =	vpop (xrf1);
	v62 =	vmax.f32 v54, v53  }
0xf3: {  	v51 =	vmax.f32 v61, v51;
	v53 =	vmin.f32 v54, v53;
	(xrf1) =	vsort.dscd.msk.f32 $0xffff, v62, v62  }
0xf4: {  	v63 =	vmax.f32 v50, v51;
	(xrf1) =	vsort.dscd.msk.f32 $0xffff, v53, v53  }
0xf5: {  	v50 =	vmin.f32 v50, v51;
	(xrf1) =	vsort.dscd.msk.f32 $0xffff, v63, v63  }
0xf6: {  	(xrf1) =	vsort.dscd.msk.f32 $0xffff, v50, v50;
	_ =	sdelay $0x5  }
0xf7: {  	v52, _, _ =	vpop (xrf0)  }
0xf8: {  	v50 =	vbroadcast v52, $0xF;
	_ =	sdelay $0x1  }
0xf9: {  	vm0 =	vge.f32 v14, v50  }
0xfa: {  	vm6 =	vge.f32 v9, v50;
	v14 =	vnsel vm0, $0x0, v14  }
0xfb: {  	(xrf0) =	vmin.scan.msk.f32 $0xffff, v49;
	vm7 =	vge.f32 v37, v50;
	v9 =	vnsel vm6, $0x0, v9;
	[tilespmem:s9+$0x4470] =	vst v14;
	v53, _, _ =	vpop (xrf1)  }
0xfc: {  	vm1 =	vge.f32 v35, v50;
	vm8 =	vge.f32 v36, v50;
	v54 =	vnsel vm7, $0x0, v37;
	[tilespmem:s9+$0x4000] =	vst v9;
	v55, _, _ =	vpop (xrf1)  }
0xfd: {  	v35 =	vnsel vm1, $0x0, v35;
	[tilespmem:s9+$0x4010] =	vst v54;
	v14 =	vperm.xlane v53, v0;
	v56 =	vperm.xlane v55, v0;
	v57, _, _ =	vpop (xrf1)  }
0xfe: {  	vm9 =	vge.f32 v32, v50;
	vm10 =	vge.f32 v34, v50;
	v36 =	vnsel vm8, $0x0, v36;
	[tilespmem:s9+$0x4020] =	vst v35;
	v58, _, _ =	vpop (xrf1)  }
0xff: {  	v32 =	vnsel vm9, $0x0, v32;
	[tilespmem:s9+$0x4030] =	vst v36;
	v9 =	vmax.f32 v57, v56;
	v14 =	vmax.f32 v58, v14  }
0x100: {  	vm11 =	vge.f32 v6, v50;
	v34 =	vnsel vm10, $0x0, v34;
	[tilespmem:s9+$0x4040] =	vst v32;
	v9 =	vmin.f32 v9, v14  }
0x101: {  	vm12 =	vge.f32 v7, v50;
	v6 =	vnsel vm11, $0x0, v6;
	[tilespmem:s9+$0x4050] =	vst v34;
	(xrf1) =	vsort.dscd.msk.f32 $0xffff, v9, v9  }
0x102: {  	vm13 =	vge.f32 v25, v50;
	v7 =	vnsel vm12, $0x0, v7;
	[tilespmem:s9+$0x4060] =	vst v6  }
0x103: {  	vm14 =	vge.f32 v3, v50;
	v59 =	vnsel vm13, $0x0, v25;
	[tilespmem:s9+$0x4070] =	vst v7  }
0x104: {  	vm15 =	vge.f32 v4, v50;
	v3 =	vnsel vm14, $0x0, v3;
	[tilespmem:s9+$0x4400] =	vst v59  }
0x105: {  	vm4 =	vge.f32 v5, v50;
	v4 =	vnsel vm15, $0x0, v4;
	[tilespmem:s9+$0x4410] =	vst v3  }
0x106: {  	v60, _, _ =	vpop (xrf0);
	vm5 =	vge.f32 v1, v50;
	v3 =	vnsel vm4, $0x0, v5;
	[tilespmem:s9+$0x4420] =	vst v4  }
0x107: {  	v1 =	vnsel vm5, $0x0, v1;
	vm6 =	vge.f32 v15, v50;
	[tilespmem:s9+$0x4430] =	vst v3;
	v3 =	vbroadcast v60, $0xF  }
0x108: {  	vm7 =	vge.f32 v2, v50;
	v61 =	vnsel vm6, $0x0, v15;
	[tilespmem:s9+$0x4440] =	vst v1  }
0x109: {  	v1 =	vnsel vm7, $0x0, v2;
	[tilespmem:s9+$0x4450] =	vst v61;
	vm8 =	vge.f32 v26, v3  }
0x10a: {  	[tilespmem:s9+$0x4460] =	vst v1;
	vm12 =	vge.f32 v16, v3;
	v1 =	vnsel vm8, $0x0, v26  }
0x10b: {  	vm14 =	vge.f32 v12, v3;
	v2 =	vnsel vm12, $0x0, v16;
	[tilespmem:s10+$0x4470] =	vst v1  }
0x10c: {  	vm9 =	vge.f32 v38, v3;
	v62 =	vnsel vm14, $0x0, v12;
	[tilespmem:s10+$0x4030] =	vst v2  }
0x10d: {  	vm10 =	vge.f32 v10, v3;
	v1 =	vnsel vm9, $0x0, v38;
	[tilespmem:s10+$0x4050] =	vst v62  }
0x10e: {  	vm11 =	vge.f32 v13, v3;
	[tilespmem:s10+$0x4000] =	vst v1;
	v1 =	vnsel vm10, $0x0, v10  }
0x10f: {  	vm13 =	vge.f32 v11, v3;
	vm15 =	vge.f32 v18, v3;
	[tilespmem:s10+$0x4010] =	vst v1;
	v1 =	vnsel vm11, $0x0, v13;
	v2, _, _ =	vpop (xrf1)  }
0x110: {  	vm4 =	vge.f32 v23, v3;
	[tilespmem:s10+$0x4020] =	vst v1;
	v1 =	vnsel vm13, $0x0, v11;
	(xrf0) =	vmin.scan.msk.f32 $0xffff, v2  }
0x111: {  	vm5 =	vge.f32 v8, v3;
	vm6 =	vge.f32 v17, v3;
	[tilespmem:s10+$0x4040] =	vst v1;
	v1 =	vnsel vm15, $0x0, v18  }
0x112: {  	vm7 =	vge.f32 v19, v3;
	vm9 =	vge.f32 v22, v3;
	[tilespmem:s10+$0x4060] =	vst v1;
	v1 =	vnsel vm5, $0x0, v8  }
0x113: {  	v63 =	vnsel vm9, $0x0, v22;
	vm11 =	vge.f32 v20, v3;
	[tilespmem:s10+$0x4400] =	vst v1;
	v1 =	vnsel vm7, $0x0, v19  }
0x114: {  	vm8 =	vge.f32 v21, v3;
	vm10 =	vge.f32 v24, v3;
	[tilespmem:s10+$0x4440] =	vst v63;
	v3 =	vnsel vm11, $0x0, v20  }
0x115: {  	[tilespmem:s10+$0x4460] =	vst v3  }
0x116: {  	[tilespmem:s10+$0x4420] =	vst v1;
	v2 =	vnsel vm4, $0x0, v23;
	v1, _, _ =	vpop (xrf0)  }
0x117: {  	[tilespmem:s10+$0x4070] =	vst v2;
	v2 =	vnsel vm6, $0x0, v17;
	v1 =	vbroadcast v1, $0xF  }
0x118: {  	[tilespmem:s10+$0x4410] =	vst v2;
	v2 =	vnsel vm8, $0x0, v21  }
0x119: {  	[tilespmem:s10+$0x4430] =	vst v2;
	v2 =	vnsel vm10, $0x0, v24;
	vm12 =	vge.f32 v46, v1  }
0x11a: {  	[tilespmem:s10+$0x4450] =	vst v2;
	vm4 =	vge.f32 v33, v1;
	v2 =	vnsel vm12, $0x0, v46  }
0x11b: {  	vm13 =	vge.f32 v31, v1;
	v3 =	vnsel vm4, $0x0, v33;
	[tilespmem:s11+$0x4470] =	vst v2  }
0x11c: {  	vm6 =	vge.f32 v39, v1;
	v2 =	vnsel vm13, $0x0, v31;
	[tilespmem:s11+$0x4030] =	vst v3  }
0x11d: {  	vm14 =	vge.f32 v29, v1;
	vm15 =	vge.f32 v30, v1;
	v3 =	vnsel vm6, $0x0, v39;
	[tilespmem:s11+$0x4000] =	vst v2  }
0x11e: {  	vm5 =	vge.f32 v28, v1;
	vm8 =	vge.f32 v45, v1;
	v2 =	vnsel vm14, $0x0, v29;
	[tilespmem:s11+$0x4050] =	vst v3  }
0x11f: {  	vm7 =	vge.f32 v41, v1;
	vm9 =	vge.f32 v27, v1;
	v3 =	vnsel vm8, $0x0, v45;
	[tilespmem:s11+$0x4010] =	vst v2  }
0x120: {  	vm10 =	vge.f32 v42, v1;
	vm11 =	vge.f32 v43, v1;
	v2 =	vnsel vm15, $0x0, v30;
	[tilespmem:s11+$0x4070] =	vst v3  }
0x121: {  	vm12 =	vge.f32 v44, v1;
	vm14 =	vge.f32 v48, v1;
	v3 =	vnsel vm10, $0x0, v42;
	[tilespmem:s11+$0x4020] =	vst v2  }
0x122: {  	vm13 =	vge.f32 v47, v1;
	vm15 =	vge.f32 v40, v1;
	v1 =	vnsel vm14, $0x0, v48;
	[tilespmem:s11+$0x4410] =	vst v3  }
0x123: {  	v2 =	vnsel vm5, $0x0, v28;
	[tilespmem:s11+$0x4450] =	vst v1  }
0x124: {  	v3 =	vnsel vm12, $0x0, v44;
	[tilespmem:s11+$0x4040] =	vst v2  }
0x125: {  	v2 =	vnsel vm7, $0x0, v41;
	[tilespmem:s11+$0x4430] =	vst v3  }
0x126: {  	[tilespmem:s11+$0x4060] =	vst v2;
	v2 =	vnsel vm9, $0x0, v27  }
0x127: {  	[tilespmem:s11+$0x4400] =	vst v2;
	v2 =	vnsel vm11, $0x0, v43  }
0x128: {  	s8 =	sadd.s32 $0x1, s8;
	[tilespmem:s11+$0x4420] =	vst v2;
	v2 =	vnsel vm13, $0x0, v47  }
0x129: {  	p0 =	sne.s32 s8, s5;
	[tilespmem:s11+$0x4440] =	vst v2;
	v2 =	vnsel vm15, $0x0, v40  }
.Ltmp1:
0x12a: {  	[tilespmem:s11+$0x4460] =	vst v2;
	(pc) =	sbr.rel @p0 .LBB2_1-.Ltmp1, $4  }
0x12b: {  	[hbm4b:s4+s2] =	stream.linear.scatter [tilespmem:s7], [sflag:$0x1], $0x4000, $0x38;
	[tilespmem:$0x8000] =	vst v63  }
0x12c: {  	_ =	swait.ge [sflag:s6], $0x4000  }
0x12d: {  	[sflag:s6] =	ssyncset.done $0x0  }
0x12e: {  	[sflag:s6] =	ssyncadd.s32 $0xFFFFC000  }
0x12f: {  	_ =	sfence.sel $0x180000  }
0x130: {  	[bflag:$0x0] =	sbarrier.arrive $0xFFFF  }
0x131: {  	p0 =	sne.s32 s1, $0x0;
	_ =	strace $0x90000047  }
0x132: {  	s0 =	sadd.s32 @!p0 $0x100000, s0;
	[bflag:$0x2] =	sbarrier.arrive $0xFFFF  }
0x133: {  	[sflag:s0] =	ssyncadd.tile.s32 @!p0 $0x1;
	_ =	shalt  }
.Lfunc_end2:
_tile_overlayer_lowered:
.L_overlay_start_2:
0x134: {  	(tag) =	ssettag $0x2  }
0x135: {  	s0 =	rddreg [dreg:$0x0];
	s2 =	stileid.u32  }
0x136: {  	s1 =	rddreg [dreg:$0x1];
	p0 =	sne.s32 s2, $0x0  }
0x137: {  	s3 =	rddreg [dreg:$0x2];
	[bflag:$0x3] =	sbarrier.arrive $0xFFFF;
	s2 =	simm.s32 @!p0 $0x1C01  }
0x138: {  	[timem:s3], [sflag:s2] =	dma.local @!p0 [hbm:s0], s1  }
0x139: {  	s0 =	simm.s32 @!p0 $0x1  }
0x13a: {  	_ =	swait.ge @!p0 [sflag:s0], s1  }
0x13b: {  	s1 =	ssub.s32 @!p0 $0x0, s1;
	[sflag:s0] =	ssyncset.done @!p0 $0x0  }
0x13c: {  	[sflag:s0] =	ssyncadd.s32 @!p0 s1  }
0x13d: {  	[bflag:$0x3] =	sbarrier.arrive $0xFFFF  }
0x13e: {  	_ =	shalt  }

</sc_bundles>
